<compile_context>
chip_gen: v7x
topology: tpu7x:2x2x1
jax: 0.10.2.dev20260603
libtpu: 0.0.44.dev20260713+nightly
codegen_flags: <defaults>
</compile_context>

<pallas_src>
import jax
import jax.numpy as jnp
from jax import lax
from jax.experimental import pallas as pl
from jax.experimental.pallas import tpu as pltpu
from jax.experimental.pallas import tpu_sc as plsc

VOCAB = 1000000
D = 64
BATCH = 4096
HIST = 200
B = BATCH * HIST

_info = plsc.get_sparse_core_info()
NW = _info.num_cores * _info.num_subcores
B_PER_W = B // NW
CHUNK = 400
STEPS = B_PER_W // CHUNK


def _gather_body(table_hbm, idx_hbm, out_hbm,
                 idx_v, rows0, rows1, gs0, gs1, ss0, ss1):
    wid = lax.axis_index("s") * _info.num_cores + lax.axis_index("c")
    base = wid * B_PER_W
    rows = (rows0, rows1)
    gsem = (gs0, gs1)
    ssem = (ss0, ss1)

    def g_start(i, b):
        pltpu.sync_copy(idx_hbm.at[pl.ds(base + i * CHUNK, CHUNK)], idx_v)

        def group(g, _):
            r0 = g * 16
            vec = idx_v[pl.ds(r0, 16)]
            for k in range(16):
                pltpu.async_copy(
                    table_hbm.at[pl.ds(vec[k], 1), pl.ds(0, D)],
                    rows[b].at[pl.ds(r0 + k, 1), pl.ds(0, D)], gsem[b])
            return None

        lax.fori_loop(0, CHUNK // 16, group, None)

    def g_wait(b):
        pltpu.make_async_copy(
            table_hbm.at[pl.ds(0, CHUNK)], rows[b], gsem[b]).wait()

    def s_start(i, b):
        pltpu.async_copy(
            rows[b], out_hbm.at[pl.ds(base + i * CHUNK, CHUNK)], ssem[b])

    def s_wait(b):
        pltpu.make_async_copy(
            rows[b], out_hbm.at[pl.ds(base, CHUNK)], ssem[b]).wait()

    def uniform(i, b):
        nb = 1 - b
        g_wait(b)
        s_start(i, b)
        s_wait(nb)
        g_start(i + 1, nb)

    g_start(0, 0)
    g_wait(0)
    s_start(0, 0)
    g_start(1, 1)

    def pair(k, _):
        uniform(2 * k + 1, 1)
        uniform(2 * k + 2, 0)
        return None

    lax.fori_loop(0, (STEPS - 2) // 2, pair, None)

    g_wait(1)
    s_start(STEPS - 1, 1)
    s_wait(0)
    s_wait(1)


_gather_call = pl.kernel(
    _gather_body,
    mesh=plsc.VectorSubcoreMesh(core_axis_name="c", subcore_axis_name="s"),
    out_type=jax.ShapeDtypeStruct((B, D), jnp.float32),
    scratch_types=[
        pltpu.VMEM((CHUNK,), jnp.int32),
        pltpu.VMEM((CHUNK, D), jnp.float32),
        pltpu.VMEM((CHUNK, D), jnp.float32),
        pltpu.SemaphoreType.DMA,
        pltpu.SemaphoreType.DMA,
        pltpu.SemaphoreType.DMA,
        pltpu.SemaphoreType.DMA,
    ],
    compiler_params=pltpu.CompilerParams(),
)


def kernel(x, embeddings):
    idx = x.reshape(B).astype(jnp.int32)
    out = _gather_call(embeddings, idx)
    return out.reshape(BATCH, HIST, D)

# --- scband reference (transcript-rebuilt; emitter-appended) ---
"""Pipeline reference for scband-content-embedding-25537875542295 (READ-ONLY COPY).

The authoritative reference and input builder live on the scoring server;
editing this copy changes nothing except your own understanding.
"""

import jax, jax.numpy as jnp
import numpy as np

VOCAB = 1000000
D_MODEL = 64
BATCH = 4096
HIST = 200

def setup_inputs(seed: int = 0) -> dict:
    key = jax.random.key(seed)
    k_idx, k_emb = jax.random.split(key)
    x = jax.random.randint(k_idx, (BATCH, HIST), 0, VOCAB, dtype=jnp.int64 if jax.config.jax_enable_x64 else jnp.int32)
    # Embedding table: in the original module it is built from CSV files; here we
    # materialize an equivalent uniform(-1, 1) table as the learned parameter.
    embeddings = jax.random.uniform(k_emb, (VOCAB, D_MODEL), dtype=jnp.float32) * 2.0 - 1.0
    return {"x": x, "embeddings": embeddings}

def reference(x, embeddings):
    # Faithful to: return self.embeddings[x]
    return jnp.take(embeddings, x, axis=0)

if __name__ == "__main__":
    import jax
    _d = setup_inputs()
    print(jax.jit(kernel)(*tuple(_d.values())))

</pallas_src>

<mosaic_0001>
#map = affine_map<(d0, d1) -> (0, 0)>
#map1 = affine_map<(d0, d1) -> (0)>
module attributes {stable_mosaic.version = 14 : i64} {
  func.func @_gather_body(%arg0: i32, %arg1: i32, %arg2: memref<1000000x64xf32, #tpu.memory_space<hbm>>, %arg3: memref<819200xi32, #tpu.memory_space<hbm>>, %arg4: memref<819200x64xf32, #tpu.memory_space<hbm>>, %arg5: memref<400xi32, #tpu.memory_space<vmem>>, %arg6: memref<400x64xf32, #tpu.memory_space<vmem>>, %arg7: memref<400x64xf32, #tpu.memory_space<vmem>>, %arg8: memref<!tpu.dma_semaphore, #tpu.memory_space<semaphore_mem>>, %arg9: memref<!tpu.dma_semaphore, #tpu.memory_space<semaphore_mem>>, %arg10: memref<!tpu.dma_semaphore, #tpu.memory_space<semaphore_mem>>, %arg11: memref<!tpu.dma_semaphore, #tpu.memory_space<semaphore_mem>>) attributes {dimension_semantics = [#tpu.dimension_semantics<core_parallel>, #tpu.dimension_semantics<subcore_parallel>], iteration_bounds = array<i64: 2, 16>, scalar_prefetch = 0 : i64, scratch_operands = 7 : i64, tpu.core_type = #tpu.core_type<sc_vector_subcore>, window_params = [{transform_indices = #map}, {transform_indices = #map1}, {transform_indices = #map}]} {
    %mul3A = arith.constant 2 : i32
    %mul3A_0 = arith.muli %arg1, %mul3A : i32
    %add3A = arith.addi %mul3A_0, %arg0 : i32
    %mul3A_1 = arith.constant 25600 : i32
    %mul3A_2 = arith.muli %add3A, %mul3A_1 : i32
    %add3A_3 = arith.constant 0 : i32
    %add3A_4 = arith.addi %mul3A_2, %add3A_3 : i32
    "tpu.region"() ({
      %run_scoped3A = tpu.sem_alloc : memref<!tpu.dma_semaphore, #tpu.memory_space<semaphore_mem>>
      %dma_start3A_51 = tpu.memref_slice %arg3[%add3A_4] : memref<819200xi32, #tpu.memory_space<hbm>> -> memref<400xi32, #tpu.memory_space<hbm>>
      %dma_start3A_52 = tpu.memref_slice %arg3[%add3A_4] : memref<819200xi32, #tpu.memory_space<hbm>> -> memref<400xi32, #tpu.memory_space<hbm>>
      tpu.enqueue_dma source(%dma_start3A_52 : memref<400xi32, #tpu.memory_space<hbm>>) target(%arg5 : memref<400xi32, #tpu.memory_space<vmem>>) target_semaphore(%run_scoped3A : memref<!tpu.dma_semaphore, #tpu.memory_space<semaphore_mem>>)
      %dma_wait3A_53 = tpu.memref_slice %arg3[%add3A_4] : memref<819200xi32, #tpu.memory_space<hbm>> -> memref<400xi32, #tpu.memory_space<hbm>>
      %dma_wait3A_54 = tpu.memref_slice %arg3[%add3A_4] : memref<819200xi32, #tpu.memory_space<hbm>> -> memref<400xi32, #tpu.memory_space<hbm>>
      tpu.wait_dma2 semaphore(%run_scoped3A : memref<!tpu.dma_semaphore, #tpu.memory_space<semaphore_mem>>) src(%dma_wait3A_54 : memref<400xi32, #tpu.memory_space<hbm>>) dst(%arg5 : memref<400xi32, #tpu.memory_space<vmem>>)
      tpu.yield
    }) : () -> ()
    %scan3A = arith.constant 0 : i32
    %scan3A_5 = arith.constant 25 : i32
    %scan3A_6 = arith.addi %scan3A, %scan3A_5 : i32
    %scan3A_7 = arith.constant 1 : i32
    scf.for %scan3A_51 = %scan3A to %scan3A_6 step %scan3A_7  : i32 {
      %mul3A_52 = arith.constant 16 : i32
      %mul3A_53 = arith.muli %scan3A_51, %mul3A_52 : i32
      %get3A = arith.index_cast %mul3A_53 : i32 to index
      %get3A_54 = tpu.vector_load %arg5[%get3A] {strides = array<i32>} : memref<400xi32, #tpu.memory_space<vmem>>, vector<16xi32>,
      %get3A_55 = vector.shape_cast %get3A_54 : vector<16xi32> to vector<16xi32>
      %slice3A = vector.extract_strided_slice %get3A_55 {offsets = [0], sizes = [1], strides = [1]} : vector<16xi32> to vector<1xi32>
      %squeeze3A = vector.extract %slice3A[0] : i32 from vector<1xi32>
      %add3A_56 = arith.constant 0 : i32
      %add3A_57 = arith.addi %mul3A_53, %add3A_56 : i32
      %dma_start3A_58 = arith.constant 0 : i32
      %dma_start3A_59 = tpu.memref_slice %arg6[%add3A_57, %dma_start3A_58] : memref<400x64xf32, #tpu.memory_space<vmem>> -> memref<1x64xf32, #tpu.memory_space<vmem>>
      %dma_start3A_60 = arith.constant 0 : i32
      %dma_start3A_61 = tpu.memref_slice %arg2[%squeeze3A, %dma_start3A_60] : memref<1000000x64xf32, #tpu.memory_space<hbm>> -> memref<1x64xf32, #tpu.memory_space<hbm>>
      %dma_start3A_62 = arith.constant 0 : i32
      %dma_start3A_63 = tpu.memref_slice %arg6[%add3A_57, %dma_start3A_62] : memref<400x64xf32, #tpu.memory_space<vmem>> -> memref<1x64xf32, #tpu.memory_space<vmem>>
      %dma_start3A_64 = arith.constant 0 : i32
      %dma_start3A_65 = tpu.memref_slice %arg2[%squeeze3A, %dma_start3A_64] : memref<1000000x64xf32, #tpu.memory_space<hbm>> -> memref<1x64xf32, #tpu.memory_space<hbm>>
      tpu.enqueue_dma source(%dma_start3A_65 : memref<1x64xf32, #tpu.memory_space<hbm>>) target(%dma_start3A_63 : memref<1x64xf32, #tpu.memory_space<vmem>>) target_semaphore(%arg8 : memref<!tpu.dma_semaphore, #tpu.memory_space<semaphore_mem>>)
      %slice3A_66 = vector.extract_strided_slice %get3A_55 {offsets = [1], sizes = [1], strides = [1]} : vector<16xi32> to vector<1xi32>
      %squeeze3A_67 = vector.extract %slice3A_66[0] : i32 from vector<1xi32>
      %add3A_68 = arith.constant 1 : i32
      %add3A_69 = arith.addi %mul3A_53, %add3A_68 : i32
      %dma_start3A_70 = arith.constant 0 : i32
      %dma_start3A_71 = tpu.memref_slice %arg6[%add3A_69, %dma_start3A_70] : memref<400x64xf32, #tpu.memory_space<vmem>> -> memref<1x64xf32, #tpu.memory_space<vmem>>
      %dma_start3A_72 = arith.constant 0 : i32
      %dma_start3A_73 = tpu.memref_slice %arg2[%squeeze3A_67, %dma_start3A_72] : memref<1000000x64xf32, #tpu.memory_space<hbm>> -> memref<1x64xf32, #tpu.memory_space<hbm>>
      %dma_start3A_74 = arith.constant 0 : i32
      %dma_start3A_75 = tpu.memref_slice %arg6[%add3A_69, %dma_start3A_74] : memref<400x64xf32, #tpu.memory_space<vmem>> -> memref<1x64xf32, #tpu.memory_space<vmem>>
      %dma_start3A_76 = arith.constant 0 : i32
      %dma_start3A_77 = tpu.memref_slice %arg2[%squeeze3A_67, %dma_start3A_76] : memref<1000000x64xf32, #tpu.memory_space<hbm>> -> memref<1x64xf32, #tpu.memory_space<hbm>>
      tpu.enqueue_dma source(%dma_start3A_77 : memref<1x64xf32, #tpu.memory_space<hbm>>) target(%dma_start3A_75 : memref<1x64xf32, #tpu.memory_space<vmem>>) target_semaphore(%arg8 : memref<!tpu.dma_semaphore, #tpu.memory_space<semaphore_mem>>)
      %slice3A_78 = vector.extract_strided_slice %get3A_55 {offsets = [2], sizes = [1], strides = [1]} : vector<16xi32> to vector<1xi32>
      %squeeze3A_79 = vector.extract %slice3A_78[0] : i32 from vector<1xi32>
      %add3A_80 = arith.constant 2 : i32
      %add3A_81 = arith.addi %mul3A_53, %add3A_80 : i32
      %dma_start3A_82 = arith.constant 0 : i32
      %dma_start3A_83 = tpu.memref_slice %arg6[%add3A_81, %dma_start3A_82] : memref<400x64xf32, #tpu.memory_space<vmem>> -> memref<1x64xf32, #tpu.memory_space<vmem>>
      %dma_start3A_84 = arith.constant 0 : i32
      %dma_start3A_85 = tpu.memref_slice %arg2[%squeeze3A_79, %dma_start3A_84] : memref<1000000x64xf32, #tpu.memory_space<hbm>> -> memref<1x64xf32, #tpu.memory_space<hbm>>
      %dma_start3A_86 = arith.constant 0 : i32
      %dma_start3A_87 = tpu.memref_slice %arg6[%add3A_81, %dma_start3A_86] : memref<400x64xf32, #tpu.memory_space<vmem>> -> memref<1x64xf32, #tpu.memory_space<vmem>>
      %dma_start3A_88 = arith.constant 0 : i32
      %dma_start3A_89 = tpu.memref_slice %arg2[%squeeze3A_79, %dma_start3A_88] : memref<1000000x64xf32, #tpu.memory_space<hbm>> -> memref<1x64xf32, #tpu.memory_space<hbm>>
      tpu.enqueue_dma source(%dma_start3A_89 : memref<1x64xf32, #tpu.memory_space<hbm>>) target(%dma_start3A_87 : memref<1x64xf32, #tpu.memory_space<vmem>>) target_semaphore(%arg8 : memref<!tpu.dma_semaphore, #tpu.memory_space<semaphore_mem>>)
      %slice3A_90 = vector.extract_strided_slice %get3A_55 {offsets = [3], sizes = [1], strides = [1]} : vector<16xi32> to vector<1xi32>
      %squeeze3A_91 = vector.extract %slice3A_90[0] : i32 from vector<1xi32>
      %add3A_92 = arith.constant 3 : i32
      %add3A_93 = arith.addi %mul3A_53, %add3A_92 : i32
      %dma_start3A_94 = arith.constant 0 : i32
      %dma_start3A_95 = tpu.memref_slice %arg6[%add3A_93, %dma_start3A_94] : memref<400x64xf32, #tpu.memory_space<vmem>> -> memref<1x64xf32, #tpu.memory_space<vmem>>
      %dma_start3A_96 = arith.constant 0 : i32
      %dma_start3A_97 = tpu.memref_slice %arg2[%squeeze3A_91, %dma_start3A_96] : memref<1000000x64xf32, #tpu.memory_space<hbm>> -> memref<1x64xf32, #tpu.memory_space<hbm>>
      %dma_start3A_98 = arith.constant 0 : i32
      %dma_start3A_99 = tpu.memref_slice %arg6[%add3A_93, %dma_start3A_98] : memref<400x64xf32, #tpu.memory_space<vmem>> -> memref<1x64xf32, #tpu.memory_space<vmem>>
      %dma_start3A_100 = arith.constant 0 : i32
      %dma_start3A_101 = tpu.memref_slice %arg2[%squeeze3A_91, %dma_start3A_100] : memref<1000000x64xf32, #tpu.memory_space<hbm>> -> memref<1x64xf32, #tpu.memory_space<hbm>>
      tpu.enqueue_dma source(%dma_start3A_101 : memref<1x64xf32, #tpu.memory_space<hbm>>) target(%dma_start3A_99 : memref<1x64xf32, #tpu.memory_space<vmem>>) target_semaphore(%arg8 : memref<!tpu.dma_semaphore, #tpu.memory_space<semaphore_mem>>)
      %slice3A_102 = vector.extract_strided_slice %get3A_55 {offsets = [4], sizes = [1], strides = [1]} : vector<16xi32> to vector<1xi32>
      %squeeze3A_103 = vector.extract %slice3A_102[0] : i32 from vector<1xi32>
      %add3A_104 = arith.constant 4 : i32
      %add3A_105 = arith.addi %mul3A_53, %add3A_104 : i32
      %dma_start3A_106 = arith.constant 0 : i32
      %dma_start3A_107 = tpu.memref_slice %arg6[%add3A_105, %dma_start3A_106] : memref<400x64xf32, #tpu.memory_space<vmem>> -> memref<1x64xf32, #tpu.memory_space<vmem>>
      %dma_start3A_108 = arith.constant 0 : i32
      %dma_start3A_109 = tpu.memref_slice %arg2[%squeeze3A_103, %dma_start3A_108] : memref<1000000x64xf32, #tpu.memory_space<hbm>> -> memref<1x64xf32, #tpu.memory_space<hbm>>
      %dma_start3A_110 = arith.constant 0 : i32
      %dma_start3A_111 = tpu.memref_slice %arg6[%add3A_105, %dma_start3A_110] : memref<400x64xf32, #tpu.memory_space<vmem>> -> memref<1x64xf32, #tpu.memory_space<vmem>>
      %dma_start3A_112 = arith.constant 0 : i32
      %dma_start3A_113 = tpu.memref_slice %arg2[%squeeze3A_103, %dma_start3A_112] : memref<1000000x64xf32, #tpu.memory_space<hbm>> -> memref<1x64xf32, #tpu.memory_space<hbm>>
      tpu.enqueue_dma source(%dma_start3A_113 : memref<1x64xf32, #tpu.memory_space<hbm>>) target(%dma_start3A_111 : memref<1x64xf32, #tpu.memory_space<vmem>>) target_semaphore(%arg8 : memref<!tpu.dma_semaphore, #tpu.memory_space<semaphore_mem>>)
      %slice3A_114 = vector.extract_strided_slice %get3A_55 {offsets = [5], sizes = [1], strides = [1]} : vector<16xi32> to vector<1xi32>
      %squeeze3A_115 = vector.extract %slice3A_114[0] : i32 from vector<1xi32>
      %add3A_116 = arith.constant 5 : i32
      %add3A_117 = arith.addi %mul3A_53, %add3A_116 : i32
      %dma_start3A_118 = arith.constant 0 : i32
      %dma_start3A_119 = tpu.memref_slice %arg6[%add3A_117, %dma_start3A_118] : memref<400x64xf32, #tpu.memory_space<vmem>> -> memref<1x64xf32, #tpu.memory_space<vmem>>
      %dma_start3A_120 = arith.constant 0 : i32
      %dma_start3A_121 = tpu.memref_slice %arg2[%squeeze3A_115, %dma_start3A_120] : memref<1000000x64xf32, #tpu.memory_space<hbm>> -> memref<1x64xf32, #tpu.memory_space<hbm>>
      %dma_start3A_122 = arith.constant 0 : i32
      %dma_start3A_123 = tpu.memref_slice %arg6[%add3A_117, %dma_start3A_122] : memref<400x64xf32, #tpu.memory_space<vmem>> -> memref<1x64xf32, #tpu.memory_space<vmem>>
      %dma_start3A_124 = arith.constant 0 : i32
      %dma_start3A_125 = tpu.memref_slice %arg2[%squeeze3A_115, %dma_start3A_124] : memref<1000000x64xf32, #tpu.memory_space<hbm>> -> memref<1x64xf32, #tpu.memory_space<hbm>>
      tpu.enqueue_dma source(%dma_start3A_125 : memref<1x64xf32, #tpu.memory_space<hbm>>) target(%dma_start3A_123 : memref<1x64xf32, #tpu.memory_space<vmem>>) target_semaphore(%arg8 : memref<!tpu.dma_semaphore, #tpu.memory_space<semaphore_mem>>)
      %slice3A_126 = vector.extract_strided_slice %get3A_55 {offsets = [6], sizes = [1], strides = [1]} : vector<16xi32> to vector<1xi32>
      %squeeze3A_127 = vector.extract %slice3A_126[0] : i32 from vector<1xi32>
      %add3A_128 = arith.constant 6 : i32
      %add3A_129 = arith.addi %mul3A_53, %add3A_128 : i32
      %dma_start3A_130 = arith.constant 0 : i32
      %dma_start3A_131 = tpu.memref_slice %arg6[%add3A_129, %dma_start3A_130] : memref<400x64xf32, #tpu.memory_space<vmem>> -> memref<1x64xf32, #tpu.memory_space<vmem>>
      %dma_start3A_132 = arith.constant 0 : i32
      %dma_start3A_133 = tpu.memref_slice %arg2[%squeeze3A_127, %dma_start3A_132] : memref<1000000x64xf32, #tpu.memory_space<hbm>> -> memref<1x64xf32, #tpu.memory_space<hbm>>
      %dma_start3A_134 = arith.constant 0 : i32
      %dma_start3A_135 = tpu.memref_slice %arg6[%add3A_129, %dma_start3A_134] : memref<400x64xf32, #tpu.memory_space<vmem>> -> memref<1x64xf32, #tpu.memory_space<vmem>>
      %dma_start3A_136 = arith.constant 0 : i32
      %dma_start3A_137 = tpu.memref_slice %arg2[%squeeze3A_127, %dma_start3A_136] : memref<1000000x64xf32, #tpu.memory_space<hbm>> -> memref<1x64xf32, #tpu.memory_space<hbm>>
      tpu.enqueue_dma source(%dma_start3A_137 : memref<1x64xf32, #tpu.memory_space<hbm>>) target(%dma_start3A_135 : memref<1x64xf32, #tpu.memory_space<vmem>>) target_semaphore(%arg8 : memref<!tpu.dma_semaphore, #tpu.memory_space<semaphore_mem>>)
      %slice3A_138 = vector.extract_strided_slice %get3A_55 {offsets = [7], sizes = [1], strides = [1]} : vector<16xi32> to vector<1xi32>
      %squeeze3A_139 = vector.extract %slice3A_138[0] : i32 from vector<1xi32>
      %add3A_140 = arith.constant 7 : i32
      %add3A_141 = arith.addi %mul3A_53, %add3A_140 : i32
      %dma_start3A_142 = arith.constant 0 : i32
      %dma_start3A_143 = tpu.memref_slice %arg6[%add3A_141, %dma_start3A_142] : memref<400x64xf32, #tpu.memory_space<vmem>> -> memref<1x64xf32, #tpu.memory_space<vmem>>
      %dma_start3A_144 = arith.constant 0 : i32
      %dma_start3A_145 = tpu.memref_slice %arg2[%squeeze3A_139, %dma_start3A_144] : memref<1000000x64xf32, #tpu.memory_space<hbm>> -> memref<1x64xf32, #tpu.memory_space<hbm>>
      %dma_start3A_146 = arith.constant 0 : i32
      %dma_start3A_147 = tpu.memref_slice %arg6[%add3A_141, %dma_start3A_146] : memref<400x64xf32, #tpu.memory_space<vmem>> -> memref<1x64xf32, #tpu.memory_space<vmem>>
      %dma_start3A_148 = arith.constant 0 : i32
      %dma_start3A_149 = tpu.memref_slice %arg2[%squeeze3A_139, %dma_start3A_148] : memref<1000000x64xf32, #tpu.memory_space<hbm>> -> memref<1x64xf32, #tpu.memory_space<hbm>>
      tpu.enqueue_dma source(%dma_start3A_149 : memref<1x64xf32, #tpu.memory_space<hbm>>) target(%dma_start3A_147 : memref<1x64xf32, #tpu.memory_space<vmem>>) target_semaphore(%arg8 : memref<!tpu.dma_semaphore, #tpu.memory_space<semaphore_mem>>)
      %slice3A_150 = vector.extract_strided_slice %get3A_55 {offsets = [8], sizes = [1], strides = [1]} : vector<16xi32> to vector<1xi32>
      %squeeze3A_151 = vector.extract %slice3A_150[0] : i32 from vector<1xi32>
      %add3A_152 = arith.constant 8 : i32
      %add3A_153 = arith.addi %mul3A_53, %add3A_152 : i32
      %dma_start3A_154 = arith.constant 0 : i32
      %dma_start3A_155 = tpu.memref_slice %arg6[%add3A_153, %dma_start3A_154] : memref<400x64xf32, #tpu.memory_space<vmem>> -> memref<1x64xf32, #tpu.memory_space<vmem>>
      %dma_start3A_156 = arith.constant 0 : i32
      %dma_start3A_157 = tpu.memref_slice %arg2[%squeeze3A_151, %dma_start3A_156] : memref<1000000x64xf32, #tpu.memory_space<hbm>> -> memref<1x64xf32, #tpu.memory_space<hbm>>
      %dma_start3A_158 = arith.constant 0 : i32
      %dma_start3A_159 = tpu.memref_slice %arg6[%add3A_153, %dma_start3A_158] : memref<400x64xf32, #tpu.memory_space<vmem>> -> memref<1x64xf32, #tpu.memory_space<vmem>>
      %dma_start3A_160 = arith.constant 0 : i32
      %dma_start3A_161 = tpu.memref_slice %arg2[%squeeze3A_151, %dma_start3A_160] : memref<1000000x64xf32, #tpu.memory_space<hbm>> -> memref<1x64xf32, #tpu.memory_space<hbm>>
      tpu.enqueue_dma source(%dma_start3A_161 : memref<1x64xf32, #tpu.memory_space<hbm>>) target(%dma_start3A_159 : memref<1x64xf32, #tpu.memory_space<vmem>>) target_semaphore(%arg8 : memref<!tpu.dma_semaphore, #tpu.memory_space<semaphore_mem>>)
      %slice3A_162 = vector.extract_strided_slice %get3A_55 {offsets = [9], sizes = [1], strides = [1]} : vector<16xi32> to vector<1xi32>
      %squeeze3A_163 = vector.extract %slice3A_162[0] : i32 from vector<1xi32>
      %add3A_164 = arith.constant 9 : i32
      %add3A_165 = arith.addi %mul3A_53, %add3A_164 : i32
      %dma_start3A_166 = arith.constant 0 : i32
      %dma_start3A_167 = tpu.memref_slice %arg6[%add3A_165, %dma_start3A_166] : memref<400x64xf32, #tpu.memory_space<vmem>> -> memref<1x64xf32, #tpu.memory_space<vmem>>
      %dma_start3A_168 = arith.constant 0 : i32
      %dma_start3A_169 = tpu.memref_slice %arg2[%squeeze3A_163, %dma_start3A_168] : memref<1000000x64xf32, #tpu.memory_space<hbm>> -> memref<1x64xf32, #tpu.memory_space<hbm>>
      %dma_start3A_170 = arith.constant 0 : i32
      %dma_start3A_171 = tpu.memref_slice %arg6[%add3A_165, %dma_start3A_170] : memref<400x64xf32, #tpu.memory_space<vmem>> -> memref<1x64xf32, #tpu.memory_space<vmem>>
      %dma_start3A_172 = arith.constant 0 : i32
      %dma_start3A_173 = tpu.memref_slice %arg2[%squeeze3A_163, %dma_start3A_172] : memref<1000000x64xf32, #tpu.memory_space<hbm>> -> memref<1x64xf32, #tpu.memory_space<hbm>>
      tpu.enqueue_dma source(%dma_start3A_173 : memref<1x64xf32, #tpu.memory_space<hbm>>) target(%dma_start3A_171 : memref<1x64xf32, #tpu.memory_space<vmem>>) target_semaphore(%arg8 : memref<!tpu.dma_semaphore, #tpu.memory_space<semaphore_mem>>)
      %slice3A_174 = vector.extract_strided_slice %get3A_55 {offsets = [10], sizes = [1], strides = [1]} : vector<16xi32> to vector<1xi32>
      %squeeze3A_175 = vector.extract %slice3A_174[0] : i32 from vector<1xi32>
      %add3A_176 = arith.constant 10 : i32
      %add3A_177 = arith.addi %mul3A_53, %add3A_176 : i32
      %dma_start3A_178 = arith.constant 0 : i32
      %dma_start3A_179 = tpu.memref_slice %arg6[%add3A_177, %dma_start3A_178] : memref<400x64xf32, #tpu.memory_space<vmem>> -> memref<1x64xf32, #tpu.memory_space<vmem>>
      %dma_start3A_180 = arith.constant 0 : i32
      %dma_start3A_181 = tpu.memref_slice %arg2[%squeeze3A_175, %dma_start3A_180] : memref<1000000x64xf32, #tpu.memory_space<hbm>> -> memref<1x64xf32, #tpu.memory_space<hbm>>
      %dma_start3A_182 = arith.constant 0 : i32
      %dma_start3A_183 = tpu.memref_slice %arg6[%add3A_177, %dma_start3A_182] : memref<400x64xf32, #tpu.memory_space<vmem>> -> memref<1x64xf32, #tpu.memory_space<vmem>>
      %dma_start3A_184 = arith.constant 0 : i32
      %dma_start3A_185 = tpu.memref_slice %arg2[%squeeze3A_175, %dma_start3A_184] : memref<1000000x64xf32, #tpu.memory_space<hbm>> -> memref<1x64xf32, #tpu.memory_space<hbm>>
      tpu.enqueue_dma source(%dma_start3A_185 : memref<1x64xf32, #tpu.memory_space<hbm>>) target(%dma_start3A_183 : memref<1x64xf32, #tpu.memory_space<vmem>>) target_semaphore(%arg8 : memref<!tpu.dma_semaphore, #tpu.memory_space<semaphore_mem>>)
      %slice3A_186 = vector.extract_strided_slice %get3A_55 {offsets = [11], sizes = [1], strides = [1]} : vector<16xi32> to vector<1xi32>
      %squeeze3A_187 = vector.extract %slice3A_186[0] : i32 from vector<1xi32>
      %add3A_188 = arith.constant 11 : i32
      %add3A_189 = arith.addi %mul3A_53, %add3A_188 : i32
      %dma_start3A_190 = arith.constant 0 : i32
      %dma_start3A_191 = tpu.memref_slice %arg6[%add3A_189, %dma_start3A_190] : memref<400x64xf32, #tpu.memory_space<vmem>> -> memref<1x64xf32, #tpu.memory_space<vmem>>
      %dma_start3A_192 = arith.constant 0 : i32
      %dma_start3A_193 = tpu.memref_slice %arg2[%squeeze3A_187, %dma_start3A_192] : memref<1000000x64xf32, #tpu.memory_space<hbm>> -> memref<1x64xf32, #tpu.memory_space<hbm>>
      %dma_start3A_194 = arith.constant 0 : i32
      %dma_start3A_195 = tpu.memref_slice %arg6[%add3A_189, %dma_start3A_194] : memref<400x64xf32, #tpu.memory_space<vmem>> -> memref<1x64xf32, #tpu.memory_space<vmem>>
      %dma_start3A_196 = arith.constant 0 : i32
      %dma_start3A_197 = tpu.memref_slice %arg2[%squeeze3A_187, %dma_start3A_196] : memref<1000000x64xf32, #tpu.memory_space<hbm>> -> memref<1x64xf32, #tpu.memory_space<hbm>>
      tpu.enqueue_dma source(%dma_start3A_197 : memref<1x64xf32, #tpu.memory_space<hbm>>) target(%dma_start3A_195 : memref<1x64xf32, #tpu.memory_space<vmem>>) target_semaphore(%arg8 : memref<!tpu.dma_semaphore, #tpu.memory_space<semaphore_mem>>)
      %slice3A_198 = vector.extract_strided_slice %get3A_55 {offsets = [12], sizes = [1], strides = [1]} : vector<16xi32> to vector<1xi32>
      %squeeze3A_199 = vector.extract %slice3A_198[0] : i32 from vector<1xi32>
      %add3A_200 = arith.constant 12 : i32
      %add3A_201 = arith.addi %mul3A_53, %add3A_200 : i32
      %dma_start3A_202 = arith.constant 0 : i32
      %dma_start3A_203 = tpu.memref_slice %arg6[%add3A_201, %dma_start3A_202] : memref<400x64xf32, #tpu.memory_space<vmem>> -> memref<1x64xf32, #tpu.memory_space<vmem>>
      %dma_start3A_204 = arith.constant 0 : i32
      %dma_start3A_205 = tpu.memref_slice %arg2[%squeeze3A_199, %dma_start3A_204] : memref<1000000x64xf32, #tpu.memory_space<hbm>> -> memref<1x64xf32, #tpu.memory_space<hbm>>
      %dma_start3A_206 = arith.constant 0 : i32
      %dma_start3A_207 = tpu.memref_slice %arg6[%add3A_201, %dma_start3A_206] : memref<400x64xf32, #tpu.memory_space<vmem>> -> memref<1x64xf32, #tpu.memory_space<vmem>>
      %dma_start3A_208 = arith.constant 0 : i32
      %dma_start3A_209 = tpu.memref_slice %arg2[%squeeze3A_199, %dma_start3A_208] : memref<1000000x64xf32, #tpu.memory_space<hbm>> -> memref<1x64xf32, #tpu.memory_space<hbm>>
      tpu.enqueue_dma source(%dma_start3A_209 : memref<1x64xf32, #tpu.memory_space<hbm>>) target(%dma_start3A_207 : memref<1x64xf32, #tpu.memory_space<vmem>>) target_semaphore(%arg8 : memref<!tpu.dma_semaphore, #tpu.memory_space<semaphore_mem>>)
      %slice3A_210 = vector.extract_strided_slice %get3A_55 {offsets = [13], sizes = [1], strides = [1]} : vector<16xi32> to vector<1xi32>
      %squeeze3A_211 = vector.extract %slice3A_210[0] : i32 from vector<1xi32>
      %add3A_212 = arith.constant 13 : i32
      %add3A_213 = arith.addi %mul3A_53, %add3A_212 : i32
      %dma_start3A_214 = arith.constant 0 : i32
      %dma_start3A_215 = tpu.memref_slice %arg6[%add3A_213, %dma_start3A_214] : memref<400x64xf32, #tpu.memory_space<vmem>> -> memref<1x64xf32, #tpu.memory_space<vmem>>
      %dma_start3A_216 = arith.constant 0 : i32
      %dma_start3A_217 = tpu.memref_slice %arg2[%squeeze3A_211, %dma_start3A_216] : memref<1000000x64xf32, #tpu.memory_space<hbm>> -> memref<1x64xf32, #tpu.memory_space<hbm>>
      %dma_start3A_218 = arith.constant 0 : i32
      %dma_start3A_219 = tpu.memref_slice %arg6[%add3A_213, %dma_start3A_218] : memref<400x64xf32, #tpu.memory_space<vmem>> -> memref<1x64xf32, #tpu.memory_space<vmem>>
      %dma_start3A_220 = arith.constant 0 : i32
      %dma_start3A_221 = tpu.memref_slice %arg2[%squeeze3A_211, %dma_start3A_220] : memref<1000000x64xf32, #tpu.memory_space<hbm>> -> memref<1x64xf32, #tpu.memory_space<hbm>>
      tpu.enqueue_dma source(%dma_start3A_221 : memref<1x64xf32, #tpu.memory_space<hbm>>) target(%dma_start3A_219 : memref<1x64xf32, #tpu.memory_space<vmem>>) target_semaphore(%arg8 : memref<!tpu.dma_semaphore, #tpu.memory_space<semaphore_mem>>)
      %slice3A_222 = vector.extract_strided_slice %get3A_55 {offsets = [14], sizes = [1], strides = [1]} : vector<16xi32> to vector<1xi32>
      %squeeze3A_223 = vector.extract %slice3A_222[0] : i32 from vector<1xi32>
      %add3A_224 = arith.constant 14 : i32
      %add3A_225 = arith.addi %mul3A_53, %add3A_224 : i32
      %dma_start3A_226 = arith.constant 0 : i32
      %dma_start3A_227 = tpu.memref_slice %arg6[%add3A_225, %dma_start3A_226] : memref<400x64xf32, #tpu.memory_space<vmem>> -> memref<1x64xf32, #tpu.memory_space<vmem>>
      %dma_start3A_228 = arith.constant 0 : i32
      %dma_start3A_229 = tpu.memref_slice %arg2[%squeeze3A_223, %dma_start3A_228] : memref<1000000x64xf32, #tpu.memory_space<hbm>> -> memref<1x64xf32, #tpu.memory_space<hbm>>
      %dma_start3A_230 = arith.constant 0 : i32
      %dma_start3A_231 = tpu.memref_slice %arg6[%add3A_225, %dma_start3A_230] : memref<400x64xf32, #tpu.memory_space<vmem>> -> memref<1x64xf32, #tpu.memory_space<vmem>>
      %dma_start3A_232 = arith.constant 0 : i32
      %dma_start3A_233 = tpu.memref_slice %arg2[%squeeze3A_223, %dma_start3A_232] : memref<1000000x64xf32, #tpu.memory_space<hbm>> -> memref<1x64xf32, #tpu.memory_space<hbm>>
      tpu.enqueue_dma source(%dma_start3A_233 : memref<1x64xf32, #tpu.memory_space<hbm>>) target(%dma_start3A_231 : memref<1x64xf32, #tpu.memory_space<vmem>>) target_semaphore(%arg8 : memref<!tpu.dma_semaphore, #tpu.memory_space<semaphore_mem>>)
      %slice3A_234 = vector.extract_strided_slice %get3A_55 {offsets = [15], sizes = [1], strides = [1]} : vector<16xi32> to vector<1xi32>
      %squeeze3A_235 = vector.extract %slice3A_234[0] : i32 from vector<1xi32>
      %add3A_236 = arith.constant 15 : i32
      %add3A_237 = arith.addi %mul3A_53, %add3A_236 : i32
      %dma_start3A_238 = arith.constant 0 : i32
      %dma_start3A_239 = tpu.memref_slice %arg6[%add3A_237, %dma_start3A_238] : memref<400x64xf32, #tpu.memory_space<vmem>> -> memref<1x64xf32, #tpu.memory_space<vmem>>
      %dma_start3A_240 = arith.constant 0 : i32
      %dma_start3A_241 = tpu.memref_slice %arg2[%squeeze3A_235, %dma_start3A_240] : memref<1000000x64xf32, #tpu.memory_space<hbm>> -> memref<1x64xf32, #tpu.memory_space<hbm>>
      %dma_start3A_242 = arith.constant 0 : i32
      %dma_start3A_243 = tpu.memref_slice %arg6[%add3A_237, %dma_start3A_242] : memref<400x64xf32, #tpu.memory_space<vmem>> -> memref<1x64xf32, #tpu.memory_space<vmem>>
      %dma_start3A_244 = arith.constant 0 : i32
      %dma_start3A_245 = tpu.memref_slice %arg2[%squeeze3A_235, %dma_start3A_244] : memref<1000000x64xf32, #tpu.memory_space<hbm>> -> memref<1x64xf32, #tpu.memory_space<hbm>>
      tpu.enqueue_dma source(%dma_start3A_245 : memref<1x64xf32, #tpu.memory_space<hbm>>) target(%dma_start3A_243 : memref<1x64xf32, #tpu.memory_space<vmem>>) target_semaphore(%arg8 : memref<!tpu.dma_semaphore, #tpu.memory_space<semaphore_mem>>)
    }
    %scan3A_8 = arith.constant 25 : i32
    %dma_wait3A = arith.constant 0 : i32
    %dma_wait3A_9 = arith.constant 0 : i32
    %dma_wait3A_10 = tpu.memref_slice %arg2[%dma_wait3A, %dma_wait3A_9] : memref<1000000x64xf32, #tpu.memory_space<hbm>> -> memref<400x64xf32, #tpu.memory_space<hbm>>
    %dma_wait3A_11 = arith.constant 0 : i32
    %dma_wait3A_12 = arith.constant 0 : i32
    %dma_wait3A_13 = tpu.memref_slice %arg2[%dma_wait3A_11, %dma_wait3A_12] : memref<1000000x64xf32, #tpu.memory_space<hbm>> -> memref<400x64xf32, #tpu.memory_space<hbm>>
    tpu.wait_dma2 semaphore(%arg8 : memref<!tpu.dma_semaphore, #tpu.memory_space<semaphore_mem>>) src(%dma_wait3A_13 : memref<400x64xf32, #tpu.memory_space<hbm>>) dst(%arg6 : memref<400x64xf32, #tpu.memory_space<vmem>>)
    %add3A_14 = arith.constant 0 : i32
    %add3A_15 = arith.addi %mul3A_2, %add3A_14 : i32
    %dma_start3A = arith.constant 0 : i32
    %dma_start3A_16 = tpu.memref_slice %arg4[%add3A_15, %dma_start3A] : memref<819200x64xf32, #tpu.memory_space<hbm>> -> memref<400x64xf32, #tpu.memory_space<hbm>>
    %dma_start3A_17 = arith.constant 0 : i32
    %dma_start3A_18 = tpu.memref_slice %arg4[%add3A_15, %dma_start3A_17] : memref<819200x64xf32, #tpu.memory_space<hbm>> -> memref<400x64xf32, #tpu.memory_space<hbm>>
    tpu.enqueue_dma source(%arg6 : memref<400x64xf32, #tpu.memory_space<vmem>>) target(%dma_start3A_18 : memref<400x64xf32, #tpu.memory_space<hbm>>) target_semaphore(%arg10 : memref<!tpu.dma_semaphore, #tpu.memory_space<semaphore_mem>>)
    %add3A_19 = arith.constant 400 : i32
    %add3A_20 = arith.addi %mul3A_2, %add3A_19 : i32
    "tpu.region"() ({
      %run_scoped3A = tpu.sem_alloc : memref<!tpu.dma_semaphore, #tpu.memory_space<semaphore_mem>>
      %dma_start3A_51 = tpu.memref_slice %arg3[%add3A_20] : memref<819200xi32, #tpu.memory_space<hbm>> -> memref<400xi32, #tpu.memory_space<hbm>>
      %dma_start3A_52 = tpu.memref_slice %arg3[%add3A_20] : memref<819200xi32, #tpu.memory_space<hbm>> -> memref<400xi32, #tpu.memory_space<hbm>>
      tpu.enqueue_dma source(%dma_start3A_52 : memref<400xi32, #tpu.memory_space<hbm>>) target(%arg5 : memref<400xi32, #tpu.memory_space<vmem>>) target_semaphore(%run_scoped3A : memref<!tpu.dma_semaphore, #tpu.memory_space<semaphore_mem>>)
      %dma_wait3A_53 = tpu.memref_slice %arg3[%add3A_20] : memref<819200xi32, #tpu.memory_space<hbm>> -> memref<400xi32, #tpu.memory_space<hbm>>
      %dma_wait3A_54 = tpu.memref_slice %arg3[%add3A_20] : memref<819200xi32, #tpu.memory_space<hbm>> -> memref<400xi32, #tpu.memory_space<hbm>>
      tpu.wait_dma2 semaphore(%run_scoped3A : memref<!tpu.dma_semaphore, #tpu.memory_space<semaphore_mem>>) src(%dma_wait3A_54 : memref<400xi32, #tpu.memory_space<hbm>>) dst(%arg5 : memref<400xi32, #tpu.memory_space<vmem>>)
      tpu.yield
    }) : () -> ()
    %scan3A_21 = arith.constant 0 : i32
    %scan3A_22 = arith.constant 25 : i32
    %scan3A_23 = arith.addi %scan3A_21, %scan3A_22 : i32
    %scan3A_24 = arith.constant 1 : i32
    scf.for %scan3A_51 = %scan3A_21 to %scan3A_23 step %scan3A_24  : i32 {
      %mul3A_52 = arith.constant 16 : i32
      %mul3A_53 = arith.muli %scan3A_51, %mul3A_52 : i32
      %get3A = arith.index_cast %mul3A_53 : i32 to index
      %get3A_54 = tpu.vector_load %arg5[%get3A] {strides = array<i32>} : memref<400xi32, #tpu.memory_space<vmem>>, vector<16xi32>,
      %get3A_55 = vector.shape_cast %get3A_54 : vector<16xi32> to vector<16xi32>
      %slice3A = vector.extract_strided_slice %get3A_55 {offsets = [0], sizes = [1], strides = [1]} : vector<16xi32> to vector<1xi32>
      %squeeze3A = vector.extract %slice3A[0] : i32 from vector<1xi32>
      %add3A_56 = arith.constant 0 : i32
      %add3A_57 = arith.addi %mul3A_53, %add3A_56 : i32
      %dma_start3A_58 = arith.constant 0 : i32
      %dma_start3A_59 = tpu.memref_slice %arg7[%add3A_57, %dma_start3A_58] : memref<400x64xf32, #tpu.memory_space<vmem>> -> memref<1x64xf32, #tpu.memory_space<vmem>>
      %dma_start3A_60 = arith.constant 0 : i32
      %dma_start3A_61 = tpu.memref_slice %arg2[%squeeze3A, %dma_start3A_60] : memref<1000000x64xf32, #tpu.memory_space<hbm>> -> memref<1x64xf32, #tpu.memory_space<hbm>>
      %dma_start3A_62 = arith.constant 0 : i32
      %dma_start3A_63 = tpu.memref_slice %arg7[%add3A_57, %dma_start3A_62] : memref<400x64xf32, #tpu.memory_space<vmem>> -> memref<1x64xf32, #tpu.memory_space<vmem>>
      %dma_start3A_64 = arith.constant 0 : i32
      %dma_start3A_65 = tpu.memref_slice %arg2[%squeeze3A, %dma_start3A_64] : memref<1000000x64xf32, #tpu.memory_space<hbm>> -> memref<1x64xf32, #tpu.memory_space<hbm>>
      tpu.enqueue_dma source(%dma_start3A_65 : memref<1x64xf32, #tpu.memory_space<hbm>>) target(%dma_start3A_63 : memref<1x64xf32, #tpu.memory_space<vmem>>) target_semaphore(%arg9 : memref<!tpu.dma_semaphore, #tpu.memory_space<semaphore_mem>>)
      %slice3A_66 = vector.extract_strided_slice %get3A_55 {offsets = [1], sizes = [1], strides = [1]} : vector<16xi32> to vector<1xi32>
      %squeeze3A_67 = vector.extract %slice3A_66[0] : i32 from vector<1xi32>
      %add3A_68 = arith.constant 1 : i32
      %add3A_69 = arith.addi %mul3A_53, %add3A_68 : i32
      %dma_start3A_70 = arith.constant 0 : i32
      %dma_start3A_71 = tpu.memref_slice %arg7[%add3A_69, %dma_start3A_70] : memref<400x64xf32, #tpu.memory_space<vmem>> -> memref<1x64xf32, #tpu.memory_space<vmem>>
      %dma_start3A_72 = arith.constant 0 : i32
      %dma_start3A_73 = tpu.memref_slice %arg2[%squeeze3A_67, %dma_start3A_72] : memref<1000000x64xf32, #tpu.memory_space<hbm>> -> memref<1x64xf32, #tpu.memory_space<hbm>>
      %dma_start3A_74 = arith.constant 0 : i32
      %dma_start3A_75 = tpu.memref_slice %arg7[%add3A_69, %dma_start3A_74] : memref<400x64xf32, #tpu.memory_space<vmem>> -> memref<1x64xf32, #tpu.memory_space<vmem>>
      %dma_start3A_76 = arith.constant 0 : i32
      %dma_start3A_77 = tpu.memref_slice %arg2[%squeeze3A_67, %dma_start3A_76] : memref<1000000x64xf32, #tpu.memory_space<hbm>> -> memref<1x64xf32, #tpu.memory_space<hbm>>
      tpu.enqueue_dma source(%dma_start3A_77 : memref<1x64xf32, #tpu.memory_space<hbm>>) target(%dma_start3A_75 : memref<1x64xf32, #tpu.memory_space<vmem>>) target_semaphore(%arg9 : memref<!tpu.dma_semaphore, #tpu.memory_space<semaphore_mem>>)
      %slice3A_78 = vector.extract_strided_slice %get3A_55 {offsets = [2], sizes = [1], strides = [1]} : vector<16xi32> to vector<1xi32>
      %squeeze3A_79 = vector.extract %slice3A_78[0] : i32 from vector<1xi32>
      %add3A_80 = arith.constant 2 : i32
      %add3A_81 = arith.addi %mul3A_53, %add3A_80 : i32
      %dma_start3A_82 = arith.constant 0 : i32
      %dma_start3A_83 = tpu.memref_slice %arg7[%add3A_81, %dma_start3A_82] : memref<400x64xf32, #tpu.memory_space<vmem>> -> memref<1x64xf32, #tpu.memory_space<vmem>>
      %dma_start3A_84 = arith.constant 0 : i32
      %dma_start3A_85 = tpu.memref_slice %arg2[%squeeze3A_79, %dma_start3A_84] : memref<1000000x64xf32, #tpu.memory_space<hbm>> -> memref<1x64xf32, #tpu.memory_space<hbm>>
      %dma_start3A_86 = arith.constant 0 : i32
      %dma_start3A_87 = tpu.memref_slice %arg7[%add3A_81, %dma_start3A_86] : memref<400x64xf32, #tpu.memory_space<vmem>> -> memref<1x64xf32, #tpu.memory_space<vmem>>
      %dma_start3A_88 = arith.constant 0 : i32
      %dma_start3A_89 = tpu.memref_slice %arg2[%squeeze3A_79, %dma_start3A_88] : memref<1000000x64xf32, #tpu.memory_space<hbm>> -> memref<1x64xf32, #tpu.memory_space<hbm>>
      tpu.enqueue_dma source(%dma_start3A_89 : memref<1x64xf32, #tpu.memory_space<hbm>>) target(%dma_start3A_87 : memref<1x64xf32, #tpu.memory_space<vmem>>) target_semaphore(%arg9 : memref<!tpu.dma_semaphore, #tpu.memory_space<semaphore_mem>>)
      %slice3A_90 = vector.extract_strided_slice %get3A_55 {offsets = [3], sizes = [1], strides = [1]} : vector<16xi32> to vector<1xi32>
      %squeeze3A_91 = vector.extract %slice3A_90[0] : i32 from vector<1xi32>
      %add3A_92 = arith.constant 3 : i32
      %add3A_93 = arith.addi %mul3A_53, %add3A_92 : i32
      %dma_start3A_94 = arith.constant 0 : i32
      %dma_start3A_95 = tpu.memref_slice %arg7[%add3A_93, %dma_start3A_94] : memref<400x64xf32, #tpu.memory_space<vmem>> -> memref<1x64xf32, #tpu.memory_space<vmem>>
      %dma_start3A_96 = arith.constant 0 : i32
      %dma_start3A_97 = tpu.memref_slice %arg2[%squeeze3A_91, %dma_start3A_96] : memref<1000000x64xf32, #tpu.memory_space<hbm>> -> memref<1x64xf32, #tpu.memory_space<hbm>>
      %dma_start3A_98 = arith.constant 0 : i32
      %dma_start3A_99 = tpu.memref_slice %arg7[%add3A_93, %dma_start3A_98] : memref<400x64xf32, #tpu.memory_space<vmem>> -> memref<1x64xf32, #tpu.memory_space<vmem>>
      %dma_start3A_100 = arith.constant 0 : i32
      %dma_start3A_101 = tpu.memref_slice %arg2[%squeeze3A_91, %dma_start3A_100] : memref<1000000x64xf32, #tpu.memory_space<hbm>> -> memref<1x64xf32, #tpu.memory_space<hbm>>
      tpu.enqueue_dma source(%dma_start3A_101 : memref<1x64xf32, #tpu.memory_space<hbm>>) target(%dma_start3A_99 : memref<1x64xf32, #tpu.memory_space<vmem>>) target_semaphore(%arg9 : memref<!tpu.dma_semaphore, #tpu.memory_space<semaphore_mem>>)
      %slice3A_102 = vector.extract_strided_slice %get3A_55 {offsets = [4], sizes = [1], strides = [1]} : vector<16xi32> to vector<1xi32>
      %squeeze3A_103 = vector.extract %slice3A_102[0] : i32 from vector<1xi32>
      %add3A_104 = arith.constant 4 : i32
      %add3A_105 = arith.addi %mul3A_53, %add3A_104 : i32
      %dma_start3A_106 = arith.constant 0 : i32
      %dma_start3A_107 = tpu.memref_slice %arg7[%add3A_105, %dma_start3A_106] : memref<400x64xf32, #tpu.memory_space<vmem>> -> memref<1x64xf32, #tpu.memory_space<vmem>>
      %dma_start3A_108 = arith.constant 0 : i32
      %dma_start3A_109 = tpu.memref_slice %arg2[%squeeze3A_103, %dma_start3A_108] : memref<1000000x64xf32, #tpu.memory_space<hbm>> -> memref<1x64xf32, #tpu.memory_space<hbm>>
      %dma_start3A_110 = arith.constant 0 : i32
      %dma_start3A_111 = tpu.memref_slice %arg7[%add3A_105, %dma_start3A_110] : memref<400x64xf32, #tpu.memory_space<vmem>> -> memref<1x64xf32, #tpu.memory_space<vmem>>
      %dma_start3A_112 = arith.constant 0 : i32
      %dma_start3A_113 = tpu.memref_slice %arg2[%squeeze3A_103, %dma_start3A_112] : memref<1000000x64xf32, #tpu.memory_space<hbm>> -> memref<1x64xf32, #tpu.memory_space<hbm>>
      tpu.enqueue_dma source(%dma_start3A_113 : memref<1x64xf32, #tpu.memory_space<hbm>>) target(%dma_start3A_111 : memref<1x64xf32, #tpu.memory_space<vmem>>) target_semaphore(%arg9 : memref<!tpu.dma_semaphore, #tpu.memory_space<semaphore_mem>>)
      %slice3A_114 = vector.extract_strided_slice %get3A_55 {offsets = [5], sizes = [1], strides = [1]} : vector<16xi32> to vector<1xi32>
      %squeeze3A_115 = vector.extract %slice3A_114[0] : i32 from vector<1xi32>
      %add3A_116 = arith.constant 5 : i32
      %add3A_117 = arith.addi %mul3A_53, %add3A_116 : i32
      %dma_start3A_118 = arith.constant 0 : i32
      %dma_start3A_119 = tpu.memref_slice %arg7[%add3A_117, %dma_start3A_118] : memref<400x64xf32, #tpu.memory_space<vmem>> -> memref<1x64xf32, #tpu.memory_space<vmem>>
      %dma_start3A_120 = arith.constant 0 : i32
      %dma_start3A_121 = tpu.memref_slice %arg2[%squeeze3A_115, %dma_start3A_120] : memref<1000000x64xf32, #tpu.memory_space<hbm>> -> memref<1x64xf32, #tpu.memory_space<hbm>>
      %dma_start3A_122 = arith.constant 0 : i32
      %dma_start3A_123 = tpu.memref_slice %arg7[%add3A_117, %dma_start3A_122] : memref<400x64xf32, #tpu.memory_space<vmem>> -> memref<1x64xf32, #tpu.memory_space<vmem>>
      %dma_start3A_124 = arith.constant 0 : i32
      %dma_start3A_125 = tpu.memref_slice %arg2[%squeeze3A_115, %dma_start3A_124] : memref<1000000x64xf32, #tpu.memory_space<hbm>> -> memref<1x64xf32, #tpu.memory_space<hbm>>
      tpu.enqueue_dma source(%dma_start3A_125 : memref<1x64xf32, #tpu.memory_space<hbm>>) target(%dma_start3A_123 : memref<1x64xf32, #tpu.memory_space<vmem>>) target_semaphore(%arg9 : memref<!tpu.dma_semaphore, #tpu.memory_space<semaphore_mem>>)
      %slice3A_126 = vector.extract_strided_slice %get3A_55 {offsets = [6], sizes = [1], strides = [1]} : vector<16xi32> to vector<1xi32>
      %squeeze3A_127 = vector.extract %slice3A_126[0] : i32 from vector<1xi32>
      %add3A_128 = arith.constant 6 : i32
      %add3A_129 = arith.addi %mul3A_53, %add3A_128 : i32
      %dma_start3A_130 = arith.constant 0 : i32
      %dma_start3A_131 = tpu.memref_slice %arg7[%add3A_129, %dma_start3A_130] : memref<400x64xf32, #tpu.memory_space<vmem>> -> memref<1x64xf32, #tpu.memory_space<vmem>>
      %dma_start3A_132 = arith.constant 0 : i32
      %dma_start3A_133 = tpu.memref_slice %arg2[%squeeze3A_127, %dma_start3A_132] : memref<1000000x64xf32, #tpu.memory_space<hbm>> -> memref<1x64xf32, #tpu.memory_space<hbm>>
      %dma_start3A_134 = arith.constant 0 : i32
      %dma_start3A_135 = tpu.memref_slice %arg7[%add3A_129, %dma_start3A_134] : memref<400x64xf32, #tpu.memory_space<vmem>> -> memref<1x64xf32, #tpu.memory_space<vmem>>
      %dma_start3A_136 = arith.constant 0 : i32
      %dma_start3A_137 = tpu.memref_slice %arg2[%squeeze3A_127, %dma_start3A_136] : memref<1000000x64xf32, #tpu.memory_space<hbm>> -> memref<1x64xf32, #tpu.memory_space<hbm>>
      tpu.enqueue_dma source(%dma_start3A_137 : memref<1x64xf32, #tpu.memory_space<hbm>>) target(%dma_start3A_135 : memref<1x64xf32, #tpu.memory_space<vmem>>) target_semaphore(%arg9 : memref<!tpu.dma_semaphore, #tpu.memory_space<semaphore_mem>>)
      %slice3A_138 = vector.extract_strided_slice %get3A_55 {offsets = [7], sizes = [1], strides = [1]} : vector<16xi32> to vector<1xi32>
      %squeeze3A_139 = vector.extract %slice3A_138[0] : i32 from vector<1xi32>
      %add3A_140 = arith.constant 7 : i32
      %add3A_141 = arith.addi %mul3A_53, %add3A_140 : i32
      %dma_start3A_142 = arith.constant 0 : i32
      %dma_start3A_143 = tpu.memref_slice %arg7[%add3A_141, %dma_start3A_142] : memref<400x64xf32, #tpu.memory_space<vmem>> -> memref<1x64xf32, #tpu.memory_space<vmem>>
      %dma_start3A_144 = arith.constant 0 : i32
      %dma_start3A_145 = tpu.memref_slice %arg2[%squeeze3A_139, %dma_start3A_144] : memref<1000000x64xf32, #tpu.memory_space<hbm>> -> memref<1x64xf32, #tpu.memory_space<hbm>>
      %dma_start3A_146 = arith.constant 0 : i32
      %dma_start3A_147 = tpu.memref_slice %arg7[%add3A_141, %dma_start3A_146] : memref<400x64xf32, #tpu.memory_space<vmem>> -> memref<1x64xf32, #tpu.memory_space<vmem>>
      %dma_start3A_148 = arith.constant 0 : i32
      %dma_start3A_149 = tpu.memref_slice %arg2[%squeeze3A_139, %dma_start3A_148] : memref<1000000x64xf32, #tpu.memory_space<hbm>> -> memref<1x64xf32, #tpu.memory_space<hbm>>
      tpu.enqueue_dma source(%dma_start3A_149 : memref<1x64xf32, #tpu.memory_space<hbm>>) target(%dma_start3A_147 : memref<1x64xf32, #tpu.memory_space<vmem>>) target_semaphore(%arg9 : memref<!tpu.dma_semaphore, #tpu.memory_space<semaphore_mem>>)
      %slice3A_150 = vector.extract_strided_slice %get3A_55 {offsets = [8], sizes = [1], strides = [1]} : vector<16xi32> to vector<1xi32>
      %squeeze3A_151 = vector.extract %slice3A_150[0] : i32 from vector<1xi32>
      %add3A_152 = arith.constant 8 : i32
      %add3A_153 = arith.addi %mul3A_53, %add3A_152 : i32
      %dma_start3A_154 = arith.constant 0 : i32
      %dma_start3A_155 = tpu.memref_slice %arg7[%add3A_153, %dma_start3A_154] : memref<400x64xf32, #tpu.memory_space<vmem>> -> memref<1x64xf32, #tpu.memory_space<vmem>>
      %dma_start3A_156 = arith.constant 0 : i32
      %dma_start3A_157 = tpu.memref_slice %arg2[%squeeze3A_151, %dma_start3A_156] : memref<1000000x64xf32, #tpu.memory_space<hbm>> -> memref<1x64xf32, #tpu.memory_space<hbm>>
      %dma_start3A_158 = arith.constant 0 : i32
      %dma_start3A_159 = tpu.memref_slice %arg7[%add3A_153, %dma_start3A_158] : memref<400x64xf32, #tpu.memory_space<vmem>> -> memref<1x64xf32, #tpu.memory_space<vmem>>
      %dma_start3A_160 = arith.constant 0 : i32
      %dma_start3A_161 = tpu.memref_slice %arg2[%squeeze3A_151, %dma_start3A_160] : memref<1000000x64xf32, #tpu.memory_space<hbm>> -> memref<1x64xf32, #tpu.memory_space<hbm>>
      tpu.enqueue_dma source(%dma_start3A_161 : memref<1x64xf32, #tpu.memory_space<hbm>>) target(%dma_start3A_159 : memref<1x64xf32, #tpu.memory_space<vmem>>) target_semaphore(%arg9 : memref<!tpu.dma_semaphore, #tpu.memory_space<semaphore_mem>>)
      %slice3A_162 = vector.extract_strided_slice %get3A_55 {offsets = [9], sizes = [1], strides = [1]} : vector<16xi32> to vector<1xi32>
      %squeeze3A_163 = vector.extract %slice3A_162[0] : i32 from vector<1xi32>
      %add3A_164 = arith.constant 9 : i32
      %add3A_165 = arith.addi %mul3A_53, %add3A_164 : i32
      %dma_start3A_166 = arith.constant 0 : i32
      %dma_start3A_167 = tpu.memref_slice %arg7[%add3A_165, %dma_start3A_166] : memref<400x64xf32, #tpu.memory_space<vmem>> -> memref<1x64xf32, #tpu.memory_space<vmem>>
      %dma_start3A_168 = arith.constant 0 : i32
      %dma_start3A_169 = tpu.memref_slice %arg2[%squeeze3A_163, %dma_start3A_168] : memref<1000000x64xf32, #tpu.memory_space<hbm>> -> memref<1x64xf32, #tpu.memory_space<hbm>>
      %dma_start3A_170 = arith.constant 0 : i32
      %dma_start3A_171 = tpu.memref_slice %arg7[%add3A_165, %dma_start3A_170] : memref<400x64xf32, #tpu.memory_space<vmem>> -> memref<1x64xf32, #tpu.memory_space<vmem>>
      %dma_start3A_172 = arith.constant 0 : i32
      %dma_start3A_173 = tpu.memref_slice %arg2[%squeeze3A_163, %dma_start3A_172] : memref<1000000x64xf32, #tpu.memory_space<hbm>> -> memref<1x64xf32, #tpu.memory_space<hbm>>
      tpu.enqueue_dma source(%dma_start3A_173 : memref<1x64xf32, #tpu.memory_space<hbm>>) target(%dma_start3A_171 : memref<1x64xf32, #tpu.memory_space<vmem>>) target_semaphore(%arg9 : memref<!tpu.dma_semaphore, #tpu.memory_space<semaphore_mem>>)
      %slice3A_174 = vector.extract_strided_slice %get3A_55 {offsets = [10], sizes = [1], strides = [1]} : vector<16xi32> to vector<1xi32>
      %squeeze3A_175 = vector.extract %slice3A_174[0] : i32 from vector<1xi32>
      %add3A_176 = arith.constant 10 : i32
      %add3A_177 = arith.addi %mul3A_53, %add3A_176 : i32
      %dma_start3A_178 = arith.constant 0 : i32
      %dma_start3A_179 = tpu.memref_slice %arg7[%add3A_177, %dma_start3A_178] : memref<400x64xf32, #tpu.memory_space<vmem>> -> memref<1x64xf32, #tpu.memory_space<vmem>>
      %dma_start3A_180 = arith.constant 0 : i32
      %dma_start3A_181 = tpu.memref_slice %arg2[%squeeze3A_175, %dma_start3A_180] : memref<1000000x64xf32, #tpu.memory_space<hbm>> -> memref<1x64xf32, #tpu.memory_space<hbm>>
      %dma_start3A_182 = arith.constant 0 : i32
      %dma_start3A_183 = tpu.memref_slice %arg7[%add3A_177, %dma_start3A_182] : memref<400x64xf32, #tpu.memory_space<vmem>> -> memref<1x64xf32, #tpu.memory_space<vmem>>
      %dma_start3A_184 = arith.constant 0 : i32
      %dma_start3A_185 = tpu.memref_slice %arg2[%squeeze3A_175, %dma_start3A_184] : memref<1000000x64xf32, #tpu.memory_space<hbm>> -> memref<1x64xf32, #tpu.memory_space<hbm>>
      tpu.enqueue_dma source(%dma_start3A_185 : memref<1x64xf32, #tpu.memory_space<hbm>>) target(%dma_start3A_183 : memref<1x64xf32, #tpu.memory_space<vmem>>) target_semaphore(%arg9 : memref<!tpu.dma_semaphore, #tpu.memory_space<semaphore_mem>>)
      %slice3A_186 = vector.extract_strided_slice %get3A_55 {offsets = [11], sizes = [1], strides = [1]} : vector<16xi32> to vector<1xi32>
      %squeeze3A_187 = vector.extract %slice3A_186[0] : i32 from vector<1xi32>
      %add3A_188 = arith.constant 11 : i32
      %add3A_189 = arith.addi %mul3A_53, %add3A_188 : i32
      %dma_start3A_190 = arith.constant 0 : i32
      %dma_start3A_191 = tpu.memref_slice %arg7[%add3A_189, %dma_start3A_190] : memref<400x64xf32, #tpu.memory_space<vmem>> -> memref<1x64xf32, #tpu.memory_space<vmem>>
      %dma_start3A_192 = arith.constant 0 : i32
      %dma_start3A_193 = tpu.memref_slice %arg2[%squeeze3A_187, %dma_start3A_192] : memref<1000000x64xf32, #tpu.memory_space<hbm>> -> memref<1x64xf32, #tpu.memory_space<hbm>>
      %dma_start3A_194 = arith.constant 0 : i32
      %dma_start3A_195 = tpu.memref_slice %arg7[%add3A_189, %dma_start3A_194] : memref<400x64xf32, #tpu.memory_space<vmem>> -> memref<1x64xf32, #tpu.memory_space<vmem>>
      %dma_start3A_196 = arith.constant 0 : i32
      %dma_start3A_197 = tpu.memref_slice %arg2[%squeeze3A_187, %dma_start3A_196] : memref<1000000x64xf32, #tpu.memory_space<hbm>> -> memref<1x64xf32, #tpu.memory_space<hbm>>
      tpu.enqueue_dma source(%dma_start3A_197 : memref<1x64xf32, #tpu.memory_space<hbm>>) target(%dma_start3A_195 : memref<1x64xf32, #tpu.memory_space<vmem>>) target_semaphore(%arg9 : memref<!tpu.dma_semaphore, #tpu.memory_space<semaphore_mem>>)
      %slice3A_198 = vector.extract_strided_slice %get3A_55 {offsets = [12], sizes = [1], strides = [1]} : vector<16xi32> to vector<1xi32>
      %squeeze3A_199 = vector.extract %slice3A_198[0] : i32 from vector<1xi32>
      %add3A_200 = arith.constant 12 : i32
      %add3A_201 = arith.addi %mul3A_53, %add3A_200 : i32
      %dma_start3A_202 = arith.constant 0 : i32
      %dma_start3A_203 = tpu.memref_slice %arg7[%add3A_201, %dma_start3A_202] : memref<400x64xf32, #tpu.memory_space<vmem>> -> memref<1x64xf32, #tpu.memory_space<vmem>>
      %dma_start3A_204 = arith.constant 0 : i32
      %dma_start3A_205 = tpu.memref_slice %arg2[%squeeze3A_199, %dma_start3A_204] : memref<1000000x64xf32, #tpu.memory_space<hbm>> -> memref<1x64xf32, #tpu.memory_space<hbm>>
      %dma_start3A_206 = arith.constant 0 : i32
      %dma_start3A_207 = tpu.memref_slice %arg7[%add3A_201, %dma_start3A_206] : memref<400x64xf32, #tpu.memory_space<vmem>> -> memref<1x64xf32, #tpu.memory_space<vmem>>
      %dma_start3A_208 = arith.constant 0 : i32
      %dma_start3A_209 = tpu.memref_slice %arg2[%squeeze3A_199, %dma_start3A_208] : memref<1000000x64xf32, #tpu.memory_space<hbm>> -> memref<1x64xf32, #tpu.memory_space<hbm>>
      tpu.enqueue_dma source(%dma_start3A_209 : memref<1x64xf32, #tpu.memory_space<hbm>>) target(%dma_start3A_207 : memref<1x64xf32, #tpu.memory_space<vmem>>) target_semaphore(%arg9 : memref<!tpu.dma_semaphore, #tpu.memory_space<semaphore_mem>>)
      %slice3A_210 = vector.extract_strided_slice %get3A_55 {offsets = [13], sizes = [1], strides = [1]} : vector<16xi32> to vector<1xi32>
      %squeeze3A_211 = vector.extract %slice3A_210[0] : i32 from vector<1xi32>
      %add3A_212 = arith.constant 13 : i32
      %add3A_213 = arith.addi %mul3A_53, %add3A_212 : i32
      %dma_start3A_214 = arith.constant 0 : i32
      %dma_start3A_215 = tpu.memref_slice %arg7[%add3A_213, %dma_start3A_214] : memref<400x64xf32, #tpu.memory_space<vmem>> -> memref<1x64xf32, #tpu.memory_space<vmem>>
      %dma_start3A_216 = arith.constant 0 : i32
      %dma_start3A_217 = tpu.memref_slice %arg2[%squeeze3A_211, %dma_start3A_216] : memref<1000000x64xf32, #tpu.memory_space<hbm>> -> memref<1x64xf32, #tpu.memory_space<hbm>>
      %dma_start3A_218 = arith.constant 0 : i32
      %dma_start3A_219 = tpu.memref_slice %arg7[%add3A_213, %dma_start3A_218] : memref<400x64xf32, #tpu.memory_space<vmem>> -> memref<1x64xf32, #tpu.memory_space<vmem>>
      %dma_start3A_220 = arith.constant 0 : i32
      %dma_start3A_221 = tpu.memref_slice %arg2[%squeeze3A_211, %dma_start3A_220] : memref<1000000x64xf32, #tpu.memory_space<hbm>> -> memref<1x64xf32, #tpu.memory_space<hbm>>
      tpu.enqueue_dma source(%dma_start3A_221 : memref<1x64xf32, #tpu.memory_space<hbm>>) target(%dma_start3A_219 : memref<1x64xf32, #tpu.memory_space<vmem>>) target_semaphore(%arg9 : memref<!tpu.dma_semaphore, #tpu.memory_space<semaphore_mem>>)
      %slice3A_222 = vector.extract_strided_slice %get3A_55 {offsets = [14], sizes = [1], strides = [1]} : vector<16xi32> to vector<1xi32>
      %squeeze3A_223 = vector.extract %slice3A_222[0] : i32 from vector<1xi32>
      %add3A_224 = arith.constant 14 : i32
      %add3A_225 = arith.addi %mul3A_53, %add3A_224 : i32
      %dma_start3A_226 = arith.constant 0 : i32
      %dma_start3A_227 = tpu.memref_slice %arg7[%add3A_225, %dma_start3A_226] : memref<400x64xf32, #tpu.memory_space<vmem>> -> memref<1x64xf32, #tpu.memory_space<vmem>>
      %dma_start3A_228 = arith.constant 0 : i32
      %dma_start3A_229 = tpu.memref_slice %arg2[%squeeze3A_223, %dma_start3A_228] : memref<1000000x64xf32, #tpu.memory_space<hbm>> -> memref<1x64xf32, #tpu.memory_space<hbm>>
      %dma_start3A_230 = arith.constant 0 : i32
      %dma_start3A_231 = tpu.memref_slice %arg7[%add3A_225, %dma_start3A_230] : memref<400x64xf32, #tpu.memory_space<vmem>> -> memref<1x64xf32, #tpu.memory_space<vmem>>
      %dma_start3A_232 = arith.constant 0 : i32
      %dma_start3A_233 = tpu.memref_slice %arg2[%squeeze3A_223, %dma_start3A_232] : memref<1000000x64xf32, #tpu.memory_space<hbm>> -> memref<1x64xf32, #tpu.memory_space<hbm>>
      tpu.enqueue_dma source(%dma_start3A_233 : memref<1x64xf32, #tpu.memory_space<hbm>>) target(%dma_start3A_231 : memref<1x64xf32, #tpu.memory_space<vmem>>) target_semaphore(%arg9 : memref<!tpu.dma_semaphore, #tpu.memory_space<semaphore_mem>>)
      %slice3A_234 = vector.extract_strided_slice %get3A_55 {offsets = [15], sizes = [1], strides = [1]} : vector<16xi32> to vector<1xi32>
      %squeeze3A_235 = vector.extract %slice3A_234[0] : i32 from vector<1xi32>
      %add3A_236 = arith.constant 15 : i32
      %add3A_237 = arith.addi %mul3A_53, %add3A_236 : i32
      %dma_start3A_238 = arith.constant 0 : i32
      %dma_start3A_239 = tpu.memref_slice %arg7[%add3A_237, %dma_start3A_238] : memref<400x64xf32, #tpu.memory_space<vmem>> -> memref<1x64xf32, #tpu.memory_space<vmem>>
      %dma_start3A_240 = arith.constant 0 : i32
      %dma_start3A_241 = tpu.memref_slice %arg2[%squeeze3A_235, %dma_start3A_240] : memref<1000000x64xf32, #tpu.memory_space<hbm>> -> memref<1x64xf32, #tpu.memory_space<hbm>>
      %dma_start3A_242 = arith.constant 0 : i32
      %dma_start3A_243 = tpu.memref_slice %arg7[%add3A_237, %dma_start3A_242] : memref<400x64xf32, #tpu.memory_space<vmem>> -> memref<1x64xf32, #tpu.memory_space<vmem>>
      %dma_start3A_244 = arith.constant 0 : i32
      %dma_start3A_245 = tpu.memref_slice %arg2[%squeeze3A_235, %dma_start3A_244] : memref<1000000x64xf32, #tpu.memory_space<hbm>> -> memref<1x64xf32, #tpu.memory_space<hbm>>
      tpu.enqueue_dma source(%dma_start3A_245 : memref<1x64xf32, #tpu.memory_space<hbm>>) target(%dma_start3A_243 : memref<1x64xf32, #tpu.memory_space<vmem>>) target_semaphore(%arg9 : memref<!tpu.dma_semaphore, #tpu.memory_space<semaphore_mem>>)
    }
    %scan3A_25 = arith.constant 25 : i32
    %scan3A_26 = arith.constant 0 : i32
    %scan3A_27 = arith.constant 31 : i32
    %scan3A_28 = arith.addi %scan3A_26, %scan3A_27 : i32
    %scan3A_29 = arith.constant 1 : i32
    scf.for %scan3A_51 = %scan3A_26 to %scan3A_28 step %scan3A_29  : i32 {
      %mul3A_52 = arith.constant 2 : i32
      %mul3A_53 = arith.muli %mul3A_52, %scan3A_51 : i32
      %add3A_54 = arith.constant 1 : i32
      %add3A_55 = arith.addi %mul3A_53, %add3A_54 : i32
      %dma_wait3A_56 = arith.constant 0 : i32
      %dma_wait3A_57 = arith.constant 0 : i32
      %dma_wait3A_58 = tpu.memref_slice %arg2[%dma_wait3A_56, %dma_wait3A_57] : memref<1000000x64xf32, #tpu.memory_space<hbm>> -> memref<400x64xf32, #tpu.memory_space<hbm>>
      %dma_wait3A_59 = arith.constant 0 : i32
      %dma_wait3A_60 = arith.constant 0 : i32
      %dma_wait3A_61 = tpu.memref_slice %arg2[%dma_wait3A_59, %dma_wait3A_60] : memref<1000000x64xf32, #tpu.memory_space<hbm>> -> memref<400x64xf32, #tpu.memory_space<hbm>>
      tpu.wait_dma2 semaphore(%arg9 : memref<!tpu.dma_semaphore, #tpu.memory_space<semaphore_mem>>) src(%dma_wait3A_61 : memref<400x64xf32, #tpu.memory_space<hbm>>) dst(%arg7 : memref<400x64xf32, #tpu.memory_space<vmem>>)
      %mul3A_62 = arith.constant 400 : i32
      %mul3A_63 = arith.muli %add3A_55, %mul3A_62 : i32
      %add3A_64 = arith.addi %mul3A_2, %mul3A_63 : i32
      %dma_start3A_65 = arith.constant 0 : i32
      %dma_start3A_66 = tpu.memref_slice %arg4[%add3A_64, %dma_start3A_65] : memref<819200x64xf32, #tpu.memory_space<hbm>> -> memref<400x64xf32, #tpu.memory_space<hbm>>
      %dma_start3A_67 = arith.constant 0 : i32
      %dma_start3A_68 = tpu.memref_slice %arg4[%add3A_64, %dma_start3A_67] : memref<819200x64xf32, #tpu.memory_space<hbm>> -> memref<400x64xf32, #tpu.memory_space<hbm>>
      tpu.enqueue_dma source(%arg7 : memref<400x64xf32, #tpu.memory_space<vmem>>) target(%dma_start3A_68 : memref<400x64xf32, #tpu.memory_space<hbm>>) target_semaphore(%arg11 : memref<!tpu.dma_semaphore, #tpu.memory_space<semaphore_mem>>)
      %dma_wait3A_69 = arith.constant 0 : i32
      %dma_wait3A_70 = tpu.memref_slice %arg4[%mul3A_2, %dma_wait3A_69] : memref<819200x64xf32, #tpu.memory_space<hbm>> -> memref<400x64xf32, #tpu.memory_space<hbm>>
      %dma_wait3A_71 = arith.constant 0 : i32
      %dma_wait3A_72 = tpu.memref_slice %arg4[%mul3A_2, %dma_wait3A_71] : memref<819200x64xf32, #tpu.memory_space<hbm>> -> memref<400x64xf32, #tpu.memory_space<hbm>>
      tpu.wait_dma2 semaphore(%arg10 : memref<!tpu.dma_semaphore, #tpu.memory_space<semaphore_mem>>) src(%arg6 : memref<400x64xf32, #tpu.memory_space<vmem>>) dst(%dma_wait3A_72 : memref<400x64xf32, #tpu.memory_space<hbm>>)
      %add3A_73 = arith.constant 1 : i32
      %add3A_74 = arith.addi %add3A_55, %add3A_73 : i32
      %mul3A_75 = arith.constant 400 : i32
      %mul3A_76 = arith.muli %add3A_74, %mul3A_75 : i32
      %add3A_77 = arith.addi %mul3A_2, %mul3A_76 : i32
      "tpu.region"() ({
        %run_scoped3A = tpu.sem_alloc : memref<!tpu.dma_semaphore, #tpu.memory_space<semaphore_mem>>
        %dma_start3A_114 = tpu.memref_slice %arg3[%add3A_77] : memref<819200xi32, #tpu.memory_space<hbm>> -> memref<400xi32, #tpu.memory_space<hbm>>
        %dma_start3A_115 = tpu.memref_slice %arg3[%add3A_77] : memref<819200xi32, #tpu.memory_space<hbm>> -> memref<400xi32, #tpu.memory_space<hbm>>
        tpu.enqueue_dma source(%dma_start3A_115 : memref<400xi32, #tpu.memory_space<hbm>>) target(%arg5 : memref<400xi32, #tpu.memory_space<vmem>>) target_semaphore(%run_scoped3A : memref<!tpu.dma_semaphore, #tpu.memory_space<semaphore_mem>>)
        %dma_wait3A_116 = tpu.memref_slice %arg3[%add3A_77] : memref<819200xi32, #tpu.memory_space<hbm>> -> memref<400xi32, #tpu.memory_space<hbm>>
        %dma_wait3A_117 = tpu.memref_slice %arg3[%add3A_77] : memref<819200xi32, #tpu.memory_space<hbm>> -> memref<400xi32, #tpu.memory_space<hbm>>
        tpu.wait_dma2 semaphore(%run_scoped3A : memref<!tpu.dma_semaphore, #tpu.memory_space<semaphore_mem>>) src(%dma_wait3A_117 : memref<400xi32, #tpu.memory_space<hbm>>) dst(%arg5 : memref<400xi32, #tpu.memory_space<vmem>>)
        tpu.yield
      }) : () -> ()
      %scan3A_78 = arith.constant 0 : i32
      %scan3A_79 = arith.constant 25 : i32
      %scan3A_80 = arith.addi %scan3A_78, %scan3A_79 : i32
      %scan3A_81 = arith.constant 1 : i32
      scf.for %scan3A_114 = %scan3A_78 to %scan3A_80 step %scan3A_81  : i32 {
        %mul3A_115 = arith.constant 16 : i32
        %mul3A_116 = arith.muli %scan3A_114, %mul3A_115 : i32
        %get3A = arith.index_cast %mul3A_116 : i32 to index
        %get3A_117 = tpu.vector_load %arg5[%get3A] {strides = array<i32>} : memref<400xi32, #tpu.memory_space<vmem>>, vector<16xi32>,
        %get3A_118 = vector.shape_cast %get3A_117 : vector<16xi32> to vector<16xi32>
        %slice3A = vector.extract_strided_slice %get3A_118 {offsets = [0], sizes = [1], strides = [1]} : vector<16xi32> to vector<1xi32>
        %squeeze3A = vector.extract %slice3A[0] : i32 from vector<1xi32>
        %add3A_119 = arith.constant 0 : i32
        %add3A_120 = arith.addi %mul3A_116, %add3A_119 : i32
        %dma_start3A_121 = arith.constant 0 : i32
        %dma_start3A_122 = tpu.memref_slice %arg6[%add3A_120, %dma_start3A_121] : memref<400x64xf32, #tpu.memory_space<vmem>> -> memref<1x64xf32, #tpu.memory_space<vmem>>
        %dma_start3A_123 = arith.constant 0 : i32
        %dma_start3A_124 = tpu.memref_slice %arg2[%squeeze3A, %dma_start3A_123] : memref<1000000x64xf32, #tpu.memory_space<hbm>> -> memref<1x64xf32, #tpu.memory_space<hbm>>
        %dma_start3A_125 = arith.constant 0 : i32
        %dma_start3A_126 = tpu.memref_slice %arg6[%add3A_120, %dma_start3A_125] : memref<400x64xf32, #tpu.memory_space<vmem>> -> memref<1x64xf32, #tpu.memory_space<vmem>>
        %dma_start3A_127 = arith.constant 0 : i32
        %dma_start3A_128 = tpu.memref_slice %arg2[%squeeze3A, %dma_start3A_127] : memref<1000000x64xf32, #tpu.memory_space<hbm>> -> memref<1x64xf32, #tpu.memory_space<hbm>>
        tpu.enqueue_dma source(%dma_start3A_128 : memref<1x64xf32, #tpu.memory_space<hbm>>) target(%dma_start3A_126 : memref<1x64xf32, #tpu.memory_space<vmem>>) target_semaphore(%arg8 : memref<!tpu.dma_semaphore, #tpu.memory_space<semaphore_mem>>)
        %slice3A_129 = vector.extract_strided_slice %get3A_118 {offsets = [1], sizes = [1], strides = [1]} : vector<16xi32> to vector<1xi32>
        %squeeze3A_130 = vector.extract %slice3A_129[0] : i32 from vector<1xi32>
        %add3A_131 = arith.constant 1 : i32
        %add3A_132 = arith.addi %mul3A_116, %add3A_131 : i32
        %dma_start3A_133 = arith.constant 0 : i32
        %dma_start3A_134 = tpu.memref_slice %arg6[%add3A_132, %dma_start3A_133] : memref<400x64xf32, #tpu.memory_space<vmem>> -> memref<1x64xf32, #tpu.memory_space<vmem>>
        %dma_start3A_135 = arith.constant 0 : i32
        %dma_start3A_136 = tpu.memref_slice %arg2[%squeeze3A_130, %dma_start3A_135] : memref<1000000x64xf32, #tpu.memory_space<hbm>> -> memref<1x64xf32, #tpu.memory_space<hbm>>
        %dma_start3A_137 = arith.constant 0 : i32
        %dma_start3A_138 = tpu.memref_slice %arg6[%add3A_132, %dma_start3A_137] : memref<400x64xf32, #tpu.memory_space<vmem>> -> memref<1x64xf32, #tpu.memory_space<vmem>>
        %dma_start3A_139 = arith.constant 0 : i32
        %dma_start3A_140 = tpu.memref_slice %arg2[%squeeze3A_130, %dma_start3A_139] : memref<1000000x64xf32, #tpu.memory_space<hbm>> -> memref<1x64xf32, #tpu.memory_space<hbm>>
        tpu.enqueue_dma source(%dma_start3A_140 : memref<1x64xf32, #tpu.memory_space<hbm>>) target(%dma_start3A_138 : memref<1x64xf32, #tpu.memory_space<vmem>>) target_semaphore(%arg8 : memref<!tpu.dma_semaphore, #tpu.memory_space<semaphore_mem>>)
        %slice3A_141 = vector.extract_strided_slice %get3A_118 {offsets = [2], sizes = [1], strides = [1]} : vector<16xi32> to vector<1xi32>
        %squeeze3A_142 = vector.extract %slice3A_141[0] : i32 from vector<1xi32>
        %add3A_143 = arith.constant 2 : i32
        %add3A_144 = arith.addi %mul3A_116, %add3A_143 : i32
        %dma_start3A_145 = arith.constant 0 : i32
        %dma_start3A_146 = tpu.memref_slice %arg6[%add3A_144, %dma_start3A_145] : memref<400x64xf32, #tpu.memory_space<vmem>> -> memref<1x64xf32, #tpu.memory_space<vmem>>
        %dma_start3A_147 = arith.constant 0 : i32
        %dma_start3A_148 = tpu.memref_slice %arg2[%squeeze3A_142, %dma_start3A_147] : memref<1000000x64xf32, #tpu.memory_space<hbm>> -> memref<1x64xf32, #tpu.memory_space<hbm>>
        %dma_start3A_149 = arith.constant 0 : i32
        %dma_start3A_150 = tpu.memref_slice %arg6[%add3A_144, %dma_start3A_149] : memref<400x64xf32, #tpu.memory_space<vmem>> -> memref<1x64xf32, #tpu.memory_space<vmem>>
        %dma_start3A_151 = arith.constant 0 : i32
        %dma_start3A_152 = tpu.memref_slice %arg2[%squeeze3A_142, %dma_start3A_151] : memref<1000000x64xf32, #tpu.memory_space<hbm>> -> memref<1x64xf32, #tpu.memory_space<hbm>>
        tpu.enqueue_dma source(%dma_start3A_152 : memref<1x64xf32, #tpu.memory_space<hbm>>) target(%dma_start3A_150 : memref<1x64xf32, #tpu.memory_space<vmem>>) target_semaphore(%arg8 : memref<!tpu.dma_semaphore, #tpu.memory_space<semaphore_mem>>)
        %slice3A_153 = vector.extract_strided_slice %get3A_118 {offsets = [3], sizes = [1], strides = [1]} : vector<16xi32> to vector<1xi32>
        %squeeze3A_154 = vector.extract %slice3A_153[0] : i32 from vector<1xi32>
        %add3A_155 = arith.constant 3 : i32
        %add3A_156 = arith.addi %mul3A_116, %add3A_155 : i32
        %dma_start3A_157 = arith.constant 0 : i32
        %dma_start3A_158 = tpu.memref_slice %arg6[%add3A_156, %dma_start3A_157] : memref<400x64xf32, #tpu.memory_space<vmem>> -> memref<1x64xf32, #tpu.memory_space<vmem>>
        %dma_start3A_159 = arith.constant 0 : i32
        %dma_start3A_160 = tpu.memref_slice %arg2[%squeeze3A_154, %dma_start3A_159] : memref<1000000x64xf32, #tpu.memory_space<hbm>> -> memref<1x64xf32, #tpu.memory_space<hbm>>
        %dma_start3A_161 = arith.constant 0 : i32
        %dma_start3A_162 = tpu.memref_slice %arg6[%add3A_156, %dma_start3A_161] : memref<400x64xf32, #tpu.memory_space<vmem>> -> memref<1x64xf32, #tpu.memory_space<vmem>>
        %dma_start3A_163 = arith.constant 0 : i32
        %dma_start3A_164 = tpu.memref_slice %arg2[%squeeze3A_154, %dma_start3A_163] : memref<1000000x64xf32, #tpu.memory_space<hbm>> -> memref<1x64xf32, #tpu.memory_space<hbm>>
        tpu.enqueue_dma source(%dma_start3A_164 : memref<1x64xf32, #tpu.memory_space<hbm>>) target(%dma_start3A_162 : memref<1x64xf32, #tpu.memory_space<vmem>>) target_semaphore(%arg8 : memref<!tpu.dma_semaphore, #tpu.memory_space<semaphore_mem>>)
        %slice3A_165 = vector.extract_strided_slice %get3A_118 {offsets = [4], sizes = [1], strides = [1]} : vector<16xi32> to vector<1xi32>
        %squeeze3A_166 = vector.extract %slice3A_165[0] : i32 from vector<1xi32>
        %add3A_167 = arith.constant 4 : i32
        %add3A_168 = arith.addi %mul3A_116, %add3A_167 : i32
        %dma_start3A_169 = arith.constant 0 : i32
        %dma_start3A_170 = tpu.memref_slice %arg6[%add3A_168, %dma_start3A_169] : memref<400x64xf32, #tpu.memory_space<vmem>> -> memref<1x64xf32, #tpu.memory_space<vmem>>
        %dma_start3A_171 = arith.constant 0 : i32
        %dma_start3A_172 = tpu.memref_slice %arg2[%squeeze3A_166, %dma_start3A_171] : memref<1000000x64xf32, #tpu.memory_space<hbm>> -> memref<1x64xf32, #tpu.memory_space<hbm>>
        %dma_start3A_173 = arith.constant 0 : i32
        %dma_start3A_174 = tpu.memref_slice %arg6[%add3A_168, %dma_start3A_173] : memref<400x64xf32, #tpu.memory_space<vmem>> -> memref<1x64xf32, #tpu.memory_space<vmem>>
        %dma_start3A_175 = arith.constant 0 : i32
        %dma_start3A_176 = tpu.memref_slice %arg2[%squeeze3A_166, %dma_start3A_175] : memref<1000000x64xf32, #tpu.memory_space<hbm>> -> memref<1x64xf32, #tpu.memory_space<hbm>>
        tpu.enqueue_dma source(%dma_start3A_176 : memref<1x64xf32, #tpu.memory_space<hbm>>) target(%dma_start3A_174 : memref<1x64xf32, #tpu.memory_space<vmem>>) target_semaphore(%arg8 : memref<!tpu.dma_semaphore, #tpu.memory_space<semaphore_mem>>)
        %slice3A_177 = vector.extract_strided_slice %get3A_118 {offsets = [5], sizes = [1], strides = [1]} : vector<16xi32> to vector<1xi32>
        %squeeze3A_178 = vector.extract %slice3A_177[0] : i32 from vector<1xi32>
        %add3A_179 = arith.constant 5 : i32
        %add3A_180 = arith.addi %mul3A_116, %add3A_179 : i32
        %dma_start3A_181 = arith.constant 0 : i32
        %dma_start3A_182 = tpu.memref_slice %arg6[%add3A_180, %dma_start3A_181] : memref<400x64xf32, #tpu.memory_space<vmem>> -> memref<1x64xf32, #tpu.memory_space<vmem>>
        %dma_start3A_183 = arith.constant 0 : i32
        %dma_start3A_184 = tpu.memref_slice %arg2[%squeeze3A_178, %dma_start3A_183] : memref<1000000x64xf32, #tpu.memory_space<hbm>> -> memref<1x64xf32, #tpu.memory_space<hbm>>
        %dma_start3A_185 = arith.constant 0 : i32
        %dma_start3A_186 = tpu.memref_slice %arg6[%add3A_180, %dma_start3A_185] : memref<400x64xf32, #tpu.memory_space<vmem>> -> memref<1x64xf32, #tpu.memory_space<vmem>>
        %dma_start3A_187 = arith.constant 0 : i32
        %dma_start3A_188 = tpu.memref_slice %arg2[%squeeze3A_178, %dma_start3A_187] : memref<1000000x64xf32, #tpu.memory_space<hbm>> -> memref<1x64xf32, #tpu.memory_space<hbm>>
        tpu.enqueue_dma source(%dma_start3A_188 : memref<1x64xf32, #tpu.memory_space<hbm>>) target(%dma_start3A_186 : memref<1x64xf32, #tpu.memory_space<vmem>>) target_semaphore(%arg8 : memref<!tpu.dma_semaphore, #tpu.memory_space<semaphore_mem>>)
        %slice3A_189 = vector.extract_strided_slice %get3A_118 {offsets = [6], sizes = [1], strides = [1]} : vector<16xi32> to vector<1xi32>
        %squeeze3A_190 = vector.extract %slice3A_189[0] : i32 from vector<1xi32>
        %add3A_191 = arith.constant 6 : i32
        %add3A_192 = arith.addi %mul3A_116, %add3A_191 : i32
        %dma_start3A_193 = arith.constant 0 : i32
        %dma_start3A_194 = tpu.memref_slice %arg6[%add3A_192, %dma_start3A_193] : memref<400x64xf32, #tpu.memory_space<vmem>> -> memref<1x64xf32, #tpu.memory_space<vmem>>
        %dma_start3A_195 = arith.constant 0 : i32
        %dma_start3A_196 = tpu.memref_slice %arg2[%squeeze3A_190, %dma_start3A_195] : memref<1000000x64xf32, #tpu.memory_space<hbm>> -> memref<1x64xf32, #tpu.memory_space<hbm>>
        %dma_start3A_197 = arith.constant 0 : i32
        %dma_start3A_198 = tpu.memref_slice %arg6[%add3A_192, %dma_start3A_197] : memref<400x64xf32, #tpu.memory_space<vmem>> -> memref<1x64xf32, #tpu.memory_space<vmem>>
        %dma_start3A_199 = arith.constant 0 : i32
        %dma_start3A_200 = tpu.memref_slice %arg2[%squeeze3A_190, %dma_start3A_199] : memref<1000000x64xf32, #tpu.memory_space<hbm>> -> memref<1x64xf32, #tpu.memory_space<hbm>>
        tpu.enqueue_dma source(%dma_start3A_200 : memref<1x64xf32, #tpu.memory_space<hbm>>) target(%dma_start3A_198 : memref<1x64xf32, #tpu.memory_space<vmem>>) target_semaphore(%arg8 : memref<!tpu.dma_semaphore, #tpu.memory_space<semaphore_mem>>)
        %slice3A_201 = vector.extract_strided_slice %get3A_118 {offsets = [7], sizes = [1], strides = [1]} : vector<16xi32> to vector<1xi32>
        %squeeze3A_202 = vector.extract %slice3A_201[0] : i32 from vector<1xi32>
        %add3A_203 = arith.constant 7 : i32
        %add3A_204 = arith.addi %mul3A_116, %add3A_203 : i32
        %dma_start3A_205 = arith.constant 0 : i32
        %dma_start3A_206 = tpu.memref_slice %arg6[%add3A_204, %dma_start3A_205] : memref<400x64xf32, #tpu.memory_space<vmem>> -> memref<1x64xf32, #tpu.memory_space<vmem>>
        %dma_start3A_207 = arith.constant 0 : i32
        %dma_start3A_208 = tpu.memref_slice %arg2[%squeeze3A_202, %dma_start3A_207] : memref<1000000x64xf32, #tpu.memory_space<hbm>> -> memref<1x64xf32, #tpu.memory_space<hbm>>
        %dma_start3A_209 = arith.constant 0 : i32
        %dma_start3A_210 = tpu.memref_slice %arg6[%add3A_204, %dma_start3A_209] : memref<400x64xf32, #tpu.memory_space<vmem>> -> memref<1x64xf32, #tpu.memory_space<vmem>>
        %dma_start3A_211 = arith.constant 0 : i32
        %dma_start3A_212 = tpu.memref_slice %arg2[%squeeze3A_202, %dma_start3A_211] : memref<1000000x64xf32, #tpu.memory_space<hbm>> -> memref<1x64xf32, #tpu.memory_space<hbm>>
        tpu.enqueue_dma source(%dma_start3A_212 : memref<1x64xf32, #tpu.memory_space<hbm>>) target(%dma_start3A_210 : memref<1x64xf32, #tpu.memory_space<vmem>>) target_semaphore(%arg8 : memref<!tpu.dma_semaphore, #tpu.memory_space<semaphore_mem>>)
        %slice3A_213 = vector.extract_strided_slice %get3A_118 {offsets = [8], sizes = [1], strides = [1]} : vector<16xi32> to vector<1xi32>
        %squeeze3A_214 = vector.extract %slice3A_213[0] : i32 from vector<1xi32>
        %add3A_215 = arith.constant 8 : i32
        %add3A_216 = arith.addi %mul3A_116, %add3A_215 : i32
        %dma_start3A_217 = arith.constant 0 : i32
        %dma_start3A_218 = tpu.memref_slice %arg6[%add3A_216, %dma_start3A_217] : memref<400x64xf32, #tpu.memory_space<vmem>> -> memref<1x64xf32, #tpu.memory_space<vmem>>
        %dma_start3A_219 = arith.constant 0 : i32
        %dma_start3A_220 = tpu.memref_slice %arg2[%squeeze3A_214, %dma_start3A_219] : memref<1000000x64xf32, #tpu.memory_space<hbm>> -> memref<1x64xf32, #tpu.memory_space<hbm>>
        %dma_start3A_221 = arith.constant 0 : i32
        %dma_start3A_222 = tpu.memref_slice %arg6[%add3A_216, %dma_start3A_221] : memref<400x64xf32, #tpu.memory_space<vmem>> -> memref<1x64xf32, #tpu.memory_space<vmem>>
        %dma_start3A_223 = arith.constant 0 : i32
        %dma_start3A_224 = tpu.memref_slice %arg2[%squeeze3A_214, %dma_start3A_223] : memref<1000000x64xf32, #tpu.memory_space<hbm>> -> memref<1x64xf32, #tpu.memory_space<hbm>>
        tpu.enqueue_dma source(%dma_start3A_224 : memref<1x64xf32, #tpu.memory_space<hbm>>) target(%dma_start3A_222 : memref<1x64xf32, #tpu.memory_space<vmem>>) target_semaphore(%arg8 : memref<!tpu.dma_semaphore, #tpu.memory_space<semaphore_mem>>)
        %slice3A_225 = vector.extract_strided_slice %get3A_118 {offsets = [9], sizes = [1], strides = [1]} : vector<16xi32> to vector<1xi32>
        %squeeze3A_226 = vector.extract %slice3A_225[0] : i32 from vector<1xi32>
        %add3A_227 = arith.constant 9 : i32
        %add3A_228 = arith.addi %mul3A_116, %add3A_227 : i32
        %dma_start3A_229 = arith.constant 0 : i32
        %dma_start3A_230 = tpu.memref_slice %arg6[%add3A_228, %dma_start3A_229] : memref<400x64xf32, #tpu.memory_space<vmem>> -> memref<1x64xf32, #tpu.memory_space<vmem>>
        %dma_start3A_231 = arith.constant 0 : i32
        %dma_start3A_232 = tpu.memref_slice %arg2[%squeeze3A_226, %dma_start3A_231] : memref<1000000x64xf32, #tpu.memory_space<hbm>> -> memref<1x64xf32, #tpu.memory_space<hbm>>
        %dma_start3A_233 = arith.constant 0 : i32
        %dma_start3A_234 = tpu.memref_slice %arg6[%add3A_228, %dma_start3A_233] : memref<400x64xf32, #tpu.memory_space<vmem>> -> memref<1x64xf32, #tpu.memory_space<vmem>>
        %dma_start3A_235 = arith.constant 0 : i32
        %dma_start3A_236 = tpu.memref_slice %arg2[%squeeze3A_226, %dma_start3A_235] : memref<1000000x64xf32, #tpu.memory_space<hbm>> -> memref<1x64xf32, #tpu.memory_space<hbm>>
        tpu.enqueue_dma source(%dma_start3A_236 : memref<1x64xf32, #tpu.memory_space<hbm>>) target(%dma_start3A_234 : memref<1x64xf32, #tpu.memory_space<vmem>>) target_semaphore(%arg8 : memref<!tpu.dma_semaphore, #tpu.memory_space<semaphore_mem>>)
        %slice3A_237 = vector.extract_strided_slice %get3A_118 {offsets = [10], sizes = [1], strides = [1]} : vector<16xi32> to vector<1xi32>
        %squeeze3A_238 = vector.extract %slice3A_237[0] : i32 from vector<1xi32>
        %add3A_239 = arith.constant 10 : i32
        %add3A_240 = arith.addi %mul3A_116, %add3A_239 : i32
        %dma_start3A_241 = arith.constant 0 : i32
        %dma_start3A_242 = tpu.memref_slice %arg6[%add3A_240, %dma_start3A_241] : memref<400x64xf32, #tpu.memory_space<vmem>> -> memref<1x64xf32, #tpu.memory_space<vmem>>
        %dma_start3A_243 = arith.constant 0 : i32
        %dma_start3A_244 = tpu.memref_slice %arg2[%squeeze3A_238, %dma_start3A_243] : memref<1000000x64xf32, #tpu.memory_space<hbm>> -> memref<1x64xf32, #tpu.memory_space<hbm>>
        %dma_start3A_245 = arith.constant 0 : i32
        %dma_start3A_246 = tpu.memref_slice %arg6[%add3A_240, %dma_start3A_245] : memref<400x64xf32, #tpu.memory_space<vmem>> -> memref<1x64xf32, #tpu.memory_space<vmem>>
        %dma_start3A_247 = arith.constant 0 : i32
        %dma_start3A_248 = tpu.memref_slice %arg2[%squeeze3A_238, %dma_start3A_247] : memref<1000000x64xf32, #tpu.memory_space<hbm>> -> memref<1x64xf32, #tpu.memory_space<hbm>>
        tpu.enqueue_dma source(%dma_start3A_248 : memref<1x64xf32, #tpu.memory_space<hbm>>) target(%dma_start3A_246 : memref<1x64xf32, #tpu.memory_space<vmem>>) target_semaphore(%arg8 : memref<!tpu.dma_semaphore, #tpu.memory_space<semaphore_mem>>)
        %slice3A_249 = vector.extract_strided_slice %get3A_118 {offsets = [11], sizes = [1], strides = [1]} : vector<16xi32> to vector<1xi32>
        %squeeze3A_250 = vector.extract %slice3A_249[0] : i32 from vector<1xi32>
        %add3A_251 = arith.constant 11 : i32
        %add3A_252 = arith.addi %mul3A_116, %add3A_251 : i32
        %dma_start3A_253 = arith.constant 0 : i32
        %dma_start3A_254 = tpu.memref_slice %arg6[%add3A_252, %dma_start3A_253] : memref<400x64xf32, #tpu.memory_space<vmem>> -> memref<1x64xf32, #tpu.memory_space<vmem>>
        %dma_start3A_255 = arith.constant 0 : i32
        %dma_start3A_256 = tpu.memref_slice %arg2[%squeeze3A_250, %dma_start3A_255] : memref<1000000x64xf32, #tpu.memory_space<hbm>> -> memref<1x64xf32, #tpu.memory_space<hbm>>
        %dma_start3A_257 = arith.constant 0 : i32
        %dma_start3A_258 = tpu.memref_slice %arg6[%add3A_252, %dma_start3A_257] : memref<400x64xf32, #tpu.memory_space<vmem>> -> memref<1x64xf32, #tpu.memory_space<vmem>>
        %dma_start3A_259 = arith.constant 0 : i32
        %dma_start3A_260 = tpu.memref_slice %arg2[%squeeze3A_250, %dma_start3A_259] : memref<1000000x64xf32, #tpu.memory_space<hbm>> -> memref<1x64xf32, #tpu.memory_space<hbm>>
        tpu.enqueue_dma source(%dma_start3A_260 : memref<1x64xf32, #tpu.memory_space<hbm>>) target(%dma_start3A_258 : memref<1x64xf32, #tpu.memory_space<vmem>>) target_semaphore(%arg8 : memref<!tpu.dma_semaphore, #tpu.memory_space<semaphore_mem>>)
        %slice3A_261 = vector.extract_strided_slice %get3A_118 {offsets = [12], sizes = [1], strides = [1]} : vector<16xi32> to vector<1xi32>
        %squeeze3A_262 = vector.extract %slice3A_261[0] : i32 from vector<1xi32>
        %add3A_263 = arith.constant 12 : i32
        %add3A_264 = arith.addi %mul3A_116, %add3A_263 : i32
        %dma_start3A_265 = arith.constant 0 : i32
        %dma_start3A_266 = tpu.memref_slice %arg6[%add3A_264, %dma_start3A_265] : memref<400x64xf32, #tpu.memory_space<vmem>> -> memref<1x64xf32, #tpu.memory_space<vmem>>
        %dma_start3A_267 = arith.constant 0 : i32
        %dma_start3A_268 = tpu.memref_slice %arg2[%squeeze3A_262, %dma_start3A_267] : memref<1000000x64xf32, #tpu.memory_space<hbm>> -> memref<1x64xf32, #tpu.memory_space<hbm>>
        %dma_start3A_269 = arith.constant 0 : i32
        %dma_start3A_270 = tpu.memref_slice %arg6[%add3A_264, %dma_start3A_269] : memref<400x64xf32, #tpu.memory_space<vmem>> -> memref<1x64xf32, #tpu.memory_space<vmem>>
        %dma_start3A_271 = arith.constant 0 : i32
        %dma_start3A_272 = tpu.memref_slice %arg2[%squeeze3A_262, %dma_start3A_271] : memref<1000000x64xf32, #tpu.memory_space<hbm>> -> memref<1x64xf32, #tpu.memory_space<hbm>>
        tpu.enqueue_dma source(%dma_start3A_272 : memref<1x64xf32, #tpu.memory_space<hbm>>) target(%dma_start3A_270 : memref<1x64xf32, #tpu.memory_space<vmem>>) target_semaphore(%arg8 : memref<!tpu.dma_semaphore, #tpu.memory_space<semaphore_mem>>)
        %slice3A_273 = vector.extract_strided_slice %get3A_118 {offsets = [13], sizes = [1], strides = [1]} : vector<16xi32> to vector<1xi32>
        %squeeze3A_274 = vector.extract %slice3A_273[0] : i32 from vector<1xi32>
        %add3A_275 = arith.constant 13 : i32
        %add3A_276 = arith.addi %mul3A_116, %add3A_275 : i32
        %dma_start3A_277 = arith.constant 0 : i32
        %dma_start3A_278 = tpu.memref_slice %arg6[%add3A_276, %dma_start3A_277] : memref<400x64xf32, #tpu.memory_space<vmem>> -> memref<1x64xf32, #tpu.memory_space<vmem>>
        %dma_start3A_279 = arith.constant 0 : i32
        %dma_start3A_280 = tpu.memref_slice %arg2[%squeeze3A_274, %dma_start3A_279] : memref<1000000x64xf32, #tpu.memory_space<hbm>> -> memref<1x64xf32, #tpu.memory_space<hbm>>
        %dma_start3A_281 = arith.constant 0 : i32
        %dma_start3A_282 = tpu.memref_slice %arg6[%add3A_276, %dma_start3A_281] : memref<400x64xf32, #tpu.memory_space<vmem>> -> memref<1x64xf32, #tpu.memory_space<vmem>>
        %dma_start3A_283 = arith.constant 0 : i32
        %dma_start3A_284 = tpu.memref_slice %arg2[%squeeze3A_274, %dma_start3A_283] : memref<1000000x64xf32, #tpu.memory_space<hbm>> -> memref<1x64xf32, #tpu.memory_space<hbm>>
        tpu.enqueue_dma source(%dma_start3A_284 : memref<1x64xf32, #tpu.memory_space<hbm>>) target(%dma_start3A_282 : memref<1x64xf32, #tpu.memory_space<vmem>>) target_semaphore(%arg8 : memref<!tpu.dma_semaphore, #tpu.memory_space<semaphore_mem>>)
        %slice3A_285 = vector.extract_strided_slice %get3A_118 {offsets = [14], sizes = [1], strides = [1]} : vector<16xi32> to vector<1xi32>
        %squeeze3A_286 = vector.extract %slice3A_285[0] : i32 from vector<1xi32>
        %add3A_287 = arith.constant 14 : i32
        %add3A_288 = arith.addi %mul3A_116, %add3A_287 : i32
        %dma_start3A_289 = arith.constant 0 : i32
        %dma_start3A_290 = tpu.memref_slice %arg6[%add3A_288, %dma_start3A_289] : memref<400x64xf32, #tpu.memory_space<vmem>> -> memref<1x64xf32, #tpu.memory_space<vmem>>
        %dma_start3A_291 = arith.constant 0 : i32
        %dma_start3A_292 = tpu.memref_slice %arg2[%squeeze3A_286, %dma_start3A_291] : memref<1000000x64xf32, #tpu.memory_space<hbm>> -> memref<1x64xf32, #tpu.memory_space<hbm>>
        %dma_start3A_293 = arith.constant 0 : i32
        %dma_start3A_294 = tpu.memref_slice %arg6[%add3A_288, %dma_start3A_293] : memref<400x64xf32, #tpu.memory_space<vmem>> -> memref<1x64xf32, #tpu.memory_space<vmem>>
        %dma_start3A_295 = arith.constant 0 : i32
        %dma_start3A_296 = tpu.memref_slice %arg2[%squeeze3A_286, %dma_start3A_295] : memref<1000000x64xf32, #tpu.memory_space<hbm>> -> memref<1x64xf32, #tpu.memory_space<hbm>>
        tpu.enqueue_dma source(%dma_start3A_296 : memref<1x64xf32, #tpu.memory_space<hbm>>) target(%dma_start3A_294 : memref<1x64xf32, #tpu.memory_space<vmem>>) target_semaphore(%arg8 : memref<!tpu.dma_semaphore, #tpu.memory_space<semaphore_mem>>)
        %slice3A_297 = vector.extract_strided_slice %get3A_118 {offsets = [15], sizes = [1], strides = [1]} : vector<16xi32> to vector<1xi32>
        %squeeze3A_298 = vector.extract %slice3A_297[0] : i32 from vector<1xi32>
        %add3A_299 = arith.constant 15 : i32
        %add3A_300 = arith.addi %mul3A_116, %add3A_299 : i32
        %dma_start3A_301 = arith.constant 0 : i32
        %dma_start3A_302 = tpu.memref_slice %arg6[%add3A_300, %dma_start3A_301] : memref<400x64xf32, #tpu.memory_space<vmem>> -> memref<1x64xf32, #tpu.memory_space<vmem>>
        %dma_start3A_303 = arith.constant 0 : i32
        %dma_start3A_304 = tpu.memref_slice %arg2[%squeeze3A_298, %dma_start3A_303] : memref<1000000x64xf32, #tpu.memory_space<hbm>> -> memref<1x64xf32, #tpu.memory_space<hbm>>
        %dma_start3A_305 = arith.constant 0 : i32
        %dma_start3A_306 = tpu.memref_slice %arg6[%add3A_300, %dma_start3A_305] : memref<400x64xf32, #tpu.memory_space<vmem>> -> memref<1x64xf32, #tpu.memory_space<vmem>>
        %dma_start3A_307 = arith.constant 0 : i32
        %dma_start3A_308 = tpu.memref_slice %arg2[%squeeze3A_298, %dma_start3A_307] : memref<1000000x64xf32, #tpu.memory_space<hbm>> -> memref<1x64xf32, #tpu.memory_space<hbm>>
        tpu.enqueue_dma source(%dma_start3A_308 : memref<1x64xf32, #tpu.memory_space<hbm>>) target(%dma_start3A_306 : memref<1x64xf32, #tpu.memory_space<vmem>>) target_semaphore(%arg8 : memref<!tpu.dma_semaphore, #tpu.memory_space<semaphore_mem>>)
      }
      %scan3A_82 = arith.constant 25 : i32
      %mul3A_83 = arith.constant 2 : i32
      %mul3A_84 = arith.muli %mul3A_83, %scan3A_51 : i32
      %add3A_85 = arith.constant 2 : i32
      %add3A_86 = arith.addi %mul3A_84, %add3A_85 : i32
      %dma_wait3A_87 = arith.constant 0 : i32
      %dma_wait3A_88 = arith.constant 0 : i32
      %dma_wait3A_89 = tpu.memref_slice %arg2[%dma_wait3A_87, %dma_wait3A_88] : memref<1000000x64xf32, #tpu.memory_space<hbm>> -> memref<400x64xf32, #tpu.memory_space<hbm>>
      %dma_wait3A_90 = arith.constant 0 : i32
      %dma_wait3A_91 = arith.constant 0 : i32
      %dma_wait3A_92 = tpu.memref_slice %arg2[%dma_wait3A_90, %dma_wait3A_91] : memref<1000000x64xf32, #tpu.memory_space<hbm>> -> memref<400x64xf32, #tpu.memory_space<hbm>>
      tpu.wait_dma2 semaphore(%arg8 : memref<!tpu.dma_semaphore, #tpu.memory_space<semaphore_mem>>) src(%dma_wait3A_92 : memref<400x64xf32, #tpu.memory_space<hbm>>) dst(%arg6 : memref<400x64xf32, #tpu.memory_space<vmem>>)
      %mul3A_93 = arith.constant 400 : i32
      %mul3A_94 = arith.muli %add3A_86, %mul3A_93 : i32
      %add3A_95 = arith.addi %mul3A_2, %mul3A_94 : i32
      %dma_start3A_96 = arith.constant 0 : i32
      %dma_start3A_97 = tpu.memref_slice %arg4[%add3A_95, %dma_start3A_96] : memref<819200x64xf32, #tpu.memory_space<hbm>> -> memref<400x64xf32, #tpu.memory_space<hbm>>
      %dma_start3A_98 = arith.constant 0 : i32
      %dma_start3A_99 = tpu.memref_slice %arg4[%add3A_95, %dma_start3A_98] : memref<819200x64xf32, #tpu.memory_space<hbm>> -> memref<400x64xf32, #tpu.memory_space<hbm>>
      tpu.enqueue_dma source(%arg6 : memref<400x64xf32, #tpu.memory_space<vmem>>) target(%dma_start3A_99 : memref<400x64xf32, #tpu.memory_space<hbm>>) target_semaphore(%arg10 : memref<!tpu.dma_semaphore, #tpu.memory_space<semaphore_mem>>)
      %dma_wait3A_100 = arith.constant 0 : i32
      %dma_wait3A_101 = tpu.memref_slice %arg4[%mul3A_2, %dma_wait3A_100] : memref<819200x64xf32, #tpu.memory_space<hbm>> -> memref<400x64xf32, #tpu.memory_space<hbm>>
      %dma_wait3A_102 = arith.constant 0 : i32
      %dma_wait3A_103 = tpu.memref_slice %arg4[%mul3A_2, %dma_wait3A_102] : memref<819200x64xf32, #tpu.memory_space<hbm>> -> memref<400x64xf32, #tpu.memory_space<hbm>>
      tpu.wait_dma2 semaphore(%arg11 : memref<!tpu.dma_semaphore, #tpu.memory_space<semaphore_mem>>) src(%arg7 : memref<400x64xf32, #tpu.memory_space<vmem>>) dst(%dma_wait3A_103 : memref<400x64xf32, #tpu.memory_space<hbm>>)
      %add3A_104 = arith.constant 1 : i32
      %add3A_105 = arith.addi %add3A_86, %add3A_104 : i32
      %mul3A_106 = arith.constant 400 : i32
      %mul3A_107 = arith.muli %add3A_105, %mul3A_106 : i32
      %add3A_108 = arith.addi %mul3A_2, %mul3A_107 : i32
      "tpu.region"() ({
        %run_scoped3A = tpu.sem_alloc : memref<!tpu.dma_semaphore, #tpu.memory_space<semaphore_mem>>
        %dma_start3A_114 = tpu.memref_slice %arg3[%add3A_108] : memref<819200xi32, #tpu.memory_space<hbm>> -> memref<400xi32, #tpu.memory_space<hbm>>
        %dma_start3A_115 = tpu.memref_slice %arg3[%add3A_108] : memref<819200xi32, #tpu.memory_space<hbm>> -> memref<400xi32, #tpu.memory_space<hbm>>
        tpu.enqueue_dma source(%dma_start3A_115 : memref<400xi32, #tpu.memory_space<hbm>>) target(%arg5 : memref<400xi32, #tpu.memory_space<vmem>>) target_semaphore(%run_scoped3A : memref<!tpu.dma_semaphore, #tpu.memory_space<semaphore_mem>>)
        %dma_wait3A_116 = tpu.memref_slice %arg3[%add3A_108] : memref<819200xi32, #tpu.memory_space<hbm>> -> memref<400xi32, #tpu.memory_space<hbm>>
        %dma_wait3A_117 = tpu.memref_slice %arg3[%add3A_108] : memref<819200xi32, #tpu.memory_space<hbm>> -> memref<400xi32, #tpu.memory_space<hbm>>
        tpu.wait_dma2 semaphore(%run_scoped3A : memref<!tpu.dma_semaphore, #tpu.memory_space<semaphore_mem>>) src(%dma_wait3A_117 : memref<400xi32, #tpu.memory_space<hbm>>) dst(%arg5 : memref<400xi32, #tpu.memory_space<vmem>>)
        tpu.yield
      }) : () -> ()
      %scan3A_109 = arith.constant 0 : i32
      %scan3A_110 = arith.constant 25 : i32
      %scan3A_111 = arith.addi %scan3A_109, %scan3A_110 : i32
      %scan3A_112 = arith.constant 1 : i32
      scf.for %scan3A_114 = %scan3A_109 to %scan3A_111 step %scan3A_112  : i32 {
        %mul3A_115 = arith.constant 16 : i32
        %mul3A_116 = arith.muli %scan3A_114, %mul3A_115 : i32
        %get3A = arith.index_cast %mul3A_116 : i32 to index
        %get3A_117 = tpu.vector_load %arg5[%get3A] {strides = array<i32>} : memref<400xi32, #tpu.memory_space<vmem>>, vector<16xi32>,
        %get3A_118 = vector.shape_cast %get3A_117 : vector<16xi32> to vector<16xi32>
        %slice3A = vector.extract_strided_slice %get3A_118 {offsets = [0], sizes = [1], strides = [1]} : vector<16xi32> to vector<1xi32>
        %squeeze3A = vector.extract %slice3A[0] : i32 from vector<1xi32>
        %add3A_119 = arith.constant 0 : i32
        %add3A_120 = arith.addi %mul3A_116, %add3A_119 : i32
        %dma_start3A_121 = arith.constant 0 : i32
        %dma_start3A_122 = tpu.memref_slice %arg7[%add3A_120, %dma_start3A_121] : memref<400x64xf32, #tpu.memory_space<vmem>> -> memref<1x64xf32, #tpu.memory_space<vmem>>
        %dma_start3A_123 = arith.constant 0 : i32
        %dma_start3A_124 = tpu.memref_slice %arg2[%squeeze3A, %dma_start3A_123] : memref<1000000x64xf32, #tpu.memory_space<hbm>> -> memref<1x64xf32, #tpu.memory_space<hbm>>
        %dma_start3A_125 = arith.constant 0 : i32
        %dma_start3A_126 = tpu.memref_slice %arg7[%add3A_120, %dma_start3A_125] : memref<400x64xf32, #tpu.memory_space<vmem>> -> memref<1x64xf32, #tpu.memory_space<vmem>>
        %dma_start3A_127 = arith.constant 0 : i32
        %dma_start3A_128 = tpu.memref_slice %arg2[%squeeze3A, %dma_start3A_127] : memref<1000000x64xf32, #tpu.memory_space<hbm>> -> memref<1x64xf32, #tpu.memory_space<hbm>>
        tpu.enqueue_dma source(%dma_start3A_128 : memref<1x64xf32, #tpu.memory_space<hbm>>) target(%dma_start3A_126 : memref<1x64xf32, #tpu.memory_space<vmem>>) target_semaphore(%arg9 : memref<!tpu.dma_semaphore, #tpu.memory_space<semaphore_mem>>)
        %slice3A_129 = vector.extract_strided_slice %get3A_118 {offsets = [1], sizes = [1], strides = [1]} : vector<16xi32> to vector<1xi32>
        %squeeze3A_130 = vector.extract %slice3A_129[0] : i32 from vector<1xi32>
        %add3A_131 = arith.constant 1 : i32
        %add3A_132 = arith.addi %mul3A_116, %add3A_131 : i32
        %dma_start3A_133 = arith.constant 0 : i32
        %dma_start3A_134 = tpu.memref_slice %arg7[%add3A_132, %dma_start3A_133] : memref<400x64xf32, #tpu.memory_space<vmem>> -> memref<1x64xf32, #tpu.memory_space<vmem>>
        %dma_start3A_135 = arith.constant 0 : i32
        %dma_start3A_136 = tpu.memref_slice %arg2[%squeeze3A_130, %dma_start3A_135] : memref<1000000x64xf32, #tpu.memory_space<hbm>> -> memref<1x64xf32, #tpu.memory_space<hbm>>
        %dma_start3A_137 = arith.constant 0 : i32
        %dma_start3A_138 = tpu.memref_slice %arg7[%add3A_132, %dma_start3A_137] : memref<400x64xf32, #tpu.memory_space<vmem>> -> memref<1x64xf32, #tpu.memory_space<vmem>>
        %dma_start3A_139 = arith.constant 0 : i32
        %dma_start3A_140 = tpu.memref_slice %arg2[%squeeze3A_130, %dma_start3A_139] : memref<1000000x64xf32, #tpu.memory_space<hbm>> -> memref<1x64xf32, #tpu.memory_space<hbm>>
        tpu.enqueue_dma source(%dma_start3A_140 : memref<1x64xf32, #tpu.memory_space<hbm>>) target(%dma_start3A_138 : memref<1x64xf32, #tpu.memory_space<vmem>>) target_semaphore(%arg9 : memref<!tpu.dma_semaphore, #tpu.memory_space<semaphore_mem>>)
        %slice3A_141 = vector.extract_strided_slice %get3A_118 {offsets = [2], sizes = [1], strides = [1]} : vector<16xi32> to vector<1xi32>
        %squeeze3A_142 = vector.extract %slice3A_141[0] : i32 from vector<1xi32>
        %add3A_143 = arith.constant 2 : i32
        %add3A_144 = arith.addi %mul3A_116, %add3A_143 : i32
        %dma_start3A_145 = arith.constant 0 : i32
        %dma_start3A_146 = tpu.memref_slice %arg7[%add3A_144, %dma_start3A_145] : memref<400x64xf32, #tpu.memory_space<vmem>> -> memref<1x64xf32, #tpu.memory_space<vmem>>
        %dma_start3A_147 = arith.constant 0 : i32
        %dma_start3A_148 = tpu.memref_slice %arg2[%squeeze3A_142, %dma_start3A_147] : memref<1000000x64xf32, #tpu.memory_space<hbm>> -> memref<1x64xf32, #tpu.memory_space<hbm>>
        %dma_start3A_149 = arith.constant 0 : i32
        %dma_start3A_150 = tpu.memref_slice %arg7[%add3A_144, %dma_start3A_149] : memref<400x64xf32, #tpu.memory_space<vmem>> -> memref<1x64xf32, #tpu.memory_space<vmem>>
        %dma_start3A_151 = arith.constant 0 : i32
        %dma_start3A_152 = tpu.memref_slice %arg2[%squeeze3A_142, %dma_start3A_151] : memref<1000000x64xf32, #tpu.memory_space<hbm>> -> memref<1x64xf32, #tpu.memory_space<hbm>>
        tpu.enqueue_dma source(%dma_start3A_152 : memref<1x64xf32, #tpu.memory_space<hbm>>) target(%dma_start3A_150 : memref<1x64xf32, #tpu.memory_space<vmem>>) target_semaphore(%arg9 : memref<!tpu.dma_semaphore, #tpu.memory_space<semaphore_mem>>)
        %slice3A_153 = vector.extract_strided_slice %get3A_118 {offsets = [3], sizes = [1], strides = [1]} : vector<16xi32> to vector<1xi32>
        %squeeze3A_154 = vector.extract %slice3A_153[0] : i32 from vector<1xi32>
        %add3A_155 = arith.constant 3 : i32
        %add3A_156 = arith.addi %mul3A_116, %add3A_155 : i32
        %dma_start3A_157 = arith.constant 0 : i32
        %dma_start3A_158 = tpu.memref_slice %arg7[%add3A_156, %dma_start3A_157] : memref<400x64xf32, #tpu.memory_space<vmem>> -> memref<1x64xf32, #tpu.memory_space<vmem>>
        %dma_start3A_159 = arith.constant 0 : i32
        %dma_start3A_160 = tpu.memref_slice %arg2[%squeeze3A_154, %dma_start3A_159] : memref<1000000x64xf32, #tpu.memory_space<hbm>> -> memref<1x64xf32, #tpu.memory_space<hbm>>
        %dma_start3A_161 = arith.constant 0 : i32
        %dma_start3A_162 = tpu.memref_slice %arg7[%add3A_156, %dma_start3A_161] : memref<400x64xf32, #tpu.memory_space<vmem>> -> memref<1x64xf32, #tpu.memory_space<vmem>>
        %dma_start3A_163 = arith.constant 0 : i32
        %dma_start3A_164 = tpu.memref_slice %arg2[%squeeze3A_154, %dma_start3A_163] : memref<1000000x64xf32, #tpu.memory_space<hbm>> -> memref<1x64xf32, #tpu.memory_space<hbm>>
        tpu.enqueue_dma source(%dma_start3A_164 : memref<1x64xf32, #tpu.memory_space<hbm>>) target(%dma_start3A_162 : memref<1x64xf32, #tpu.memory_space<vmem>>) target_semaphore(%arg9 : memref<!tpu.dma_semaphore, #tpu.memory_space<semaphore_mem>>)
        %slice3A_165 = vector.extract_strided_slice %get3A_118 {offsets = [4], sizes = [1], strides = [1]} : vector<16xi32> to vector<1xi32>
        %squeeze3A_166 = vector.extract %slice3A_165[0] : i32 from vector<1xi32>
        %add3A_167 = arith.constant 4 : i32
        %add3A_168 = arith.addi %mul3A_116, %add3A_167 : i32
        %dma_start3A_169 = arith.constant 0 : i32
        %dma_start3A_170 = tpu.memref_slice %arg7[%add3A_168, %dma_start3A_169] : memref<400x64xf32, #tpu.memory_space<vmem>> -> memref<1x64xf32, #tpu.memory_space<vmem>>
        %dma_start3A_171 = arith.constant 0 : i32
        %dma_start3A_172 = tpu.memref_slice %arg2[%squeeze3A_166, %dma_start3A_171] : memref<1000000x64xf32, #tpu.memory_space<hbm>> -> memref<1x64xf32, #tpu.memory_space<hbm>>
        %dma_start3A_173 = arith.constant 0 : i32
        %dma_start3A_174 = tpu.memref_slice %arg7[%add3A_168, %dma_start3A_173] : memref<400x64xf32, #tpu.memory_space<vmem>> -> memref<1x64xf32, #tpu.memory_space<vmem>>
        %dma_start3A_175 = arith.constant 0 : i32
        %dma_start3A_176 = tpu.memref_slice %arg2[%squeeze3A_166, %dma_start3A_175] : memref<1000000x64xf32, #tpu.memory_space<hbm>> -> memref<1x64xf32, #tpu.memory_space<hbm>>
        tpu.enqueue_dma source(%dma_start3A_176 : memref<1x64xf32, #tpu.memory_space<hbm>>) target(%dma_start3A_174 : memref<1x64xf32, #tpu.memory_space<vmem>>) target_semaphore(%arg9 : memref<!tpu.dma_semaphore, #tpu.memory_space<semaphore_mem>>)
        %slice3A_177 = vector.extract_strided_slice %get3A_118 {offsets = [5], sizes = [1], strides = [1]} : vector<16xi32> to vector<1xi32>
        %squeeze3A_178 = vector.extract %slice3A_177[0] : i32 from vector<1xi32>
        %add3A_179 = arith.constant 5 : i32
        %add3A_180 = arith.addi %mul3A_116, %add3A_179 : i32
        %dma_start3A_181 = arith.constant 0 : i32
        %dma_start3A_182 = tpu.memref_slice %arg7[%add3A_180, %dma_start3A_181] : memref<400x64xf32, #tpu.memory_space<vmem>> -> memref<1x64xf32, #tpu.memory_space<vmem>>
        %dma_start3A_183 = arith.constant 0 : i32
        %dma_start3A_184 = tpu.memref_slice %arg2[%squeeze3A_178, %dma_start3A_183] : memref<1000000x64xf32, #tpu.memory_space<hbm>> -> memref<1x64xf32, #tpu.memory_space<hbm>>
        %dma_start3A_185 = arith.constant 0 : i32
        %dma_start3A_186 = tpu.memref_slice %arg7[%add3A_180, %dma_start3A_185] : memref<400x64xf32, #tpu.memory_space<vmem>> -> memref<1x64xf32, #tpu.memory_space<vmem>>
        %dma_start3A_187 = arith.constant 0 : i32
        %dma_start3A_188 = tpu.memref_slice %arg2[%squeeze3A_178, %dma_start3A_187] : memref<1000000x64xf32, #tpu.memory_space<hbm>> -> memref<1x64xf32, #tpu.memory_space<hbm>>
        tpu.enqueue_dma source(%dma_start3A_188 : memref<1x64xf32, #tpu.memory_space<hbm>>) target(%dma_start3A_186 : memref<1x64xf32, #tpu.memory_space<vmem>>) target_semaphore(%arg9 : memref<!tpu.dma_semaphore, #tpu.memory_space<semaphore_mem>>)
        %slice3A_189 = vector.extract_strided_slice %get3A_118 {offsets = [6], sizes = [1], strides = [1]} : vector<16xi32> to vector<1xi32>
        %squeeze3A_190 = vector.extract %slice3A_189[0] : i32 from vector<1xi32>
        %add3A_191 = arith.constant 6 : i32
        %add3A_192 = arith.addi %mul3A_116, %add3A_191 : i32
        %dma_start3A_193 = arith.constant 0 : i32
        %dma_start3A_194 = tpu.memref_slice %arg7[%add3A_192, %dma_start3A_193] : memref<400x64xf32, #tpu.memory_space<vmem>> -> memref<1x64xf32, #tpu.memory_space<vmem>>
        %dma_start3A_195 = arith.constant 0 : i32
        %dma_start3A_196 = tpu.memref_slice %arg2[%squeeze3A_190, %dma_start3A_195] : memref<1000000x64xf32, #tpu.memory_space<hbm>> -> memref<1x64xf32, #tpu.memory_space<hbm>>
        %dma_start3A_197 = arith.constant 0 : i32
        %dma_start3A_198 = tpu.memref_slice %arg7[%add3A_192, %dma_start3A_197] : memref<400x64xf32, #tpu.memory_space<vmem>> -> memref<1x64xf32, #tpu.memory_space<vmem>>
        %dma_start3A_199 = arith.constant 0 : i32
        %dma_start3A_200 = tpu.memref_slice %arg2[%squeeze3A_190, %dma_start3A_199] : memref<1000000x64xf32, #tpu.memory_space<hbm>> -> memref<1x64xf32, #tpu.memory_space<hbm>>
        tpu.enqueue_dma source(%dma_start3A_200 : memref<1x64xf32, #tpu.memory_space<hbm>>) target(%dma_start3A_198 : memref<1x64xf32, #tpu.memory_space<vmem>>) target_semaphore(%arg9 : memref<!tpu.dma_semaphore, #tpu.memory_space<semaphore_mem>>)
        %slice3A_201 = vector.extract_strided_slice %get3A_118 {offsets = [7], sizes = [1], strides = [1]} : vector<16xi32> to vector<1xi32>
        %squeeze3A_202 = vector.extract %slice3A_201[0] : i32 from vector<1xi32>
        %add3A_203 = arith.constant 7 : i32
        %add3A_204 = arith.addi %mul3A_116, %add3A_203 : i32
        %dma_start3A_205 = arith.constant 0 : i32
        %dma_start3A_206 = tpu.memref_slice %arg7[%add3A_204, %dma_start3A_205] : memref<400x64xf32, #tpu.memory_space<vmem>> -> memref<1x64xf32, #tpu.memory_space<vmem>>
        %dma_start3A_207 = arith.constant 0 : i32
        %dma_start3A_208 = tpu.memref_slice %arg2[%squeeze3A_202, %dma_start3A_207] : memref<1000000x64xf32, #tpu.memory_space<hbm>> -> memref<1x64xf32, #tpu.memory_space<hbm>>
        %dma_start3A_209 = arith.constant 0 : i32
        %dma_start3A_210 = tpu.memref_slice %arg7[%add3A_204, %dma_start3A_209] : memref<400x64xf32, #tpu.memory_space<vmem>> -> memref<1x64xf32, #tpu.memory_space<vmem>>
        %dma_start3A_211 = arith.constant 0 : i32
        %dma_start3A_212 = tpu.memref_slice %arg2[%squeeze3A_202, %dma_start3A_211] : memref<1000000x64xf32, #tpu.memory_space<hbm>> -> memref<1x64xf32, #tpu.memory_space<hbm>>
        tpu.enqueue_dma source(%dma_start3A_212 : memref<1x64xf32, #tpu.memory_space<hbm>>) target(%dma_start3A_210 : memref<1x64xf32, #tpu.memory_space<vmem>>) target_semaphore(%arg9 : memref<!tpu.dma_semaphore, #tpu.memory_space<semaphore_mem>>)
        %slice3A_213 = vector.extract_strided_slice %get3A_118 {offsets = [8], sizes = [1], strides = [1]} : vector<16xi32> to vector<1xi32>
        %squeeze3A_214 = vector.extract %slice3A_213[0] : i32 from vector<1xi32>
        %add3A_215 = arith.constant 8 : i32
        %add3A_216 = arith.addi %mul3A_116, %add3A_215 : i32
        %dma_start3A_217 = arith.constant 0 : i32
        %dma_start3A_218 = tpu.memref_slice %arg7[%add3A_216, %dma_start3A_217] : memref<400x64xf32, #tpu.memory_space<vmem>> -> memref<1x64xf32, #tpu.memory_space<vmem>>
        %dma_start3A_219 = arith.constant 0 : i32
        %dma_start3A_220 = tpu.memref_slice %arg2[%squeeze3A_214, %dma_start3A_219] : memref<1000000x64xf32, #tpu.memory_space<hbm>> -> memref<1x64xf32, #tpu.memory_space<hbm>>
        %dma_start3A_221 = arith.constant 0 : i32
        %dma_start3A_222 = tpu.memref_slice %arg7[%add3A_216, %dma_start3A_221] : memref<400x64xf32, #tpu.memory_space<vmem>> -> memref<1x64xf32, #tpu.memory_space<vmem>>
        %dma_start3A_223 = arith.constant 0 : i32
        %dma_start3A_224 = tpu.memref_slice %arg2[%squeeze3A_214, %dma_start3A_223] : memref<1000000x64xf32, #tpu.memory_space<hbm>> -> memref<1x64xf32, #tpu.memory_space<hbm>>
        tpu.enqueue_dma source(%dma_start3A_224 : memref<1x64xf32, #tpu.memory_space<hbm>>) target(%dma_start3A_222 : memref<1x64xf32, #tpu.memory_space<vmem>>) target_semaphore(%arg9 : memref<!tpu.dma_semaphore, #tpu.memory_space<semaphore_mem>>)
        %slice3A_225 = vector.extract_strided_slice %get3A_118 {offsets = [9], sizes = [1], strides = [1]} : vector<16xi32> to vector<1xi32>
        %squeeze3A_226 = vector.extract %slice3A_225[0] : i32 from vector<1xi32>
        %add3A_227 = arith.constant 9 : i32
        %add3A_228 = arith.addi %mul3A_116, %add3A_227 : i32
        %dma_start3A_229 = arith.constant 0 : i32
        %dma_start3A_230 = tpu.memref_slice %arg7[%add3A_228, %dma_start3A_229] : memref<400x64xf32, #tpu.memory_space<vmem>> -> memref<1x64xf32, #tpu.memory_space<vmem>>
        %dma_start3A_231 = arith.constant 0 : i32
        %dma_start3A_232 = tpu.memref_slice %arg2[%squeeze3A_226, %dma_start3A_231] : memref<1000000x64xf32, #tpu.memory_space<hbm>> -> memref<1x64xf32, #tpu.memory_space<hbm>>
        %dma_start3A_233 = arith.constant 0 : i32
        %dma_start3A_234 = tpu.memref_slice %arg7[%add3A_228, %dma_start3A_233] : memref<400x64xf32, #tpu.memory_space<vmem>> -> memref<1x64xf32, #tpu.memory_space<vmem>>
        %dma_start3A_235 = arith.constant 0 : i32
        %dma_start3A_236 = tpu.memref_slice %arg2[%squeeze3A_226, %dma_start3A_235] : memref<1000000x64xf32, #tpu.memory_space<hbm>> -> memref<1x64xf32, #tpu.memory_space<hbm>>
        tpu.enqueue_dma source(%dma_start3A_236 : memref<1x64xf32, #tpu.memory_space<hbm>>) target(%dma_start3A_234 : memref<1x64xf32, #tpu.memory_space<vmem>>) target_semaphore(%arg9 : memref<!tpu.dma_semaphore, #tpu.memory_space<semaphore_mem>>)
        %slice3A_237 = vector.extract_strided_slice %get3A_118 {offsets = [10], sizes = [1], strides = [1]} : vector<16xi32> to vector<1xi32>
        %squeeze3A_238 = vector.extract %slice3A_237[0] : i32 from vector<1xi32>
        %add3A_239 = arith.constant 10 : i32
        %add3A_240 = arith.addi %mul3A_116, %add3A_239 : i32
        %dma_start3A_241 = arith.constant 0 : i32
        %dma_start3A_242 = tpu.memref_slice %arg7[%add3A_240, %dma_start3A_241] : memref<400x64xf32, #tpu.memory_space<vmem>> -> memref<1x64xf32, #tpu.memory_space<vmem>>
        %dma_start3A_243 = arith.constant 0 : i32
        %dma_start3A_244 = tpu.memref_slice %arg2[%squeeze3A_238, %dma_start3A_243] : memref<1000000x64xf32, #tpu.memory_space<hbm>> -> memref<1x64xf32, #tpu.memory_space<hbm>>
        %dma_start3A_245 = arith.constant 0 : i32
        %dma_start3A_246 = tpu.memref_slice %arg7[%add3A_240, %dma_start3A_245] : memref<400x64xf32, #tpu.memory_space<vmem>> -> memref<1x64xf32, #tpu.memory_space<vmem>>
        %dma_start3A_247 = arith.constant 0 : i32
        %dma_start3A_248 = tpu.memref_slice %arg2[%squeeze3A_238, %dma_start3A_247] : memref<1000000x64xf32, #tpu.memory_space<hbm>> -> memref<1x64xf32, #tpu.memory_space<hbm>>
        tpu.enqueue_dma source(%dma_start3A_248 : memref<1x64xf32, #tpu.memory_space<hbm>>) target(%dma_start3A_246 : memref<1x64xf32, #tpu.memory_space<vmem>>) target_semaphore(%arg9 : memref<!tpu.dma_semaphore, #tpu.memory_space<semaphore_mem>>)
        %slice3A_249 = vector.extract_strided_slice %get3A_118 {offsets = [11], sizes = [1], strides = [1]} : vector<16xi32> to vector<1xi32>
        %squeeze3A_250 = vector.extract %slice3A_249[0] : i32 from vector<1xi32>
        %add3A_251 = arith.constant 11 : i32
        %add3A_252 = arith.addi %mul3A_116, %add3A_251 : i32
        %dma_start3A_253 = arith.constant 0 : i32
        %dma_start3A_254 = tpu.memref_slice %arg7[%add3A_252, %dma_start3A_253] : memref<400x64xf32, #tpu.memory_space<vmem>> -> memref<1x64xf32, #tpu.memory_space<vmem>>
        %dma_start3A_255 = arith.constant 0 : i32
        %dma_start3A_256 = tpu.memref_slice %arg2[%squeeze3A_250, %dma_start3A_255] : memref<1000000x64xf32, #tpu.memory_space<hbm>> -> memref<1x64xf32, #tpu.memory_space<hbm>>
        %dma_start3A_257 = arith.constant 0 : i32
        %dma_start3A_258 = tpu.memref_slice %arg7[%add3A_252, %dma_start3A_257] : memref<400x64xf32, #tpu.memory_space<vmem>> -> memref<1x64xf32, #tpu.memory_space<vmem>>
        %dma_start3A_259 = arith.constant 0 : i32
        %dma_start3A_260 = tpu.memref_slice %arg2[%squeeze3A_250, %dma_start3A_259] : memref<1000000x64xf32, #tpu.memory_space<hbm>> -> memref<1x64xf32, #tpu.memory_space<hbm>>
        tpu.enqueue_dma source(%dma_start3A_260 : memref<1x64xf32, #tpu.memory_space<hbm>>) target(%dma_start3A_258 : memref<1x64xf32, #tpu.memory_space<vmem>>) target_semaphore(%arg9 : memref<!tpu.dma_semaphore, #tpu.memory_space<semaphore_mem>>)
        %slice3A_261 = vector.extract_strided_slice %get3A_118 {offsets = [12], sizes = [1], strides = [1]} : vector<16xi32> to vector<1xi32>
        %squeeze3A_262 = vector.extract %slice3A_261[0] : i32 from vector<1xi32>
        %add3A_263 = arith.constant 12 : i32
        %add3A_264 = arith.addi %mul3A_116, %add3A_263 : i32
        %dma_start3A_265 = arith.constant 0 : i32
        %dma_start3A_266 = tpu.memref_slice %arg7[%add3A_264, %dma_start3A_265] : memref<400x64xf32, #tpu.memory_space<vmem>> -> memref<1x64xf32, #tpu.memory_space<vmem>>
        %dma_start3A_267 = arith.constant 0 : i32
        %dma_start3A_268 = tpu.memref_slice %arg2[%squeeze3A_262, %dma_start3A_267] : memref<1000000x64xf32, #tpu.memory_space<hbm>> -> memref<1x64xf32, #tpu.memory_space<hbm>>
        %dma_start3A_269 = arith.constant 0 : i32
        %dma_start3A_270 = tpu.memref_slice %arg7[%add3A_264, %dma_start3A_269] : memref<400x64xf32, #tpu.memory_space<vmem>> -> memref<1x64xf32, #tpu.memory_space<vmem>>
        %dma_start3A_271 = arith.constant 0 : i32
        %dma_start3A_272 = tpu.memref_slice %arg2[%squeeze3A_262, %dma_start3A_271] : memref<1000000x64xf32, #tpu.memory_space<hbm>> -> memref<1x64xf32, #tpu.memory_space<hbm>>
        tpu.enqueue_dma source(%dma_start3A_272 : memref<1x64xf32, #tpu.memory_space<hbm>>) target(%dma_start3A_270 : memref<1x64xf32, #tpu.memory_space<vmem>>) target_semaphore(%arg9 : memref<!tpu.dma_semaphore, #tpu.memory_space<semaphore_mem>>)
        %slice3A_273 = vector.extract_strided_slice %get3A_118 {offsets = [13], sizes = [1], strides = [1]} : vector<16xi32> to vector<1xi32>
        %squeeze3A_274 = vector.extract %slice3A_273[0] : i32 from vector<1xi32>
        %add3A_275 = arith.constant 13 : i32
        %add3A_276 = arith.addi %mul3A_116, %add3A_275 : i32
        %dma_start3A_277 = arith.constant 0 : i32
        %dma_start3A_278 = tpu.memref_slice %arg7[%add3A_276, %dma_start3A_277] : memref<400x64xf32, #tpu.memory_space<vmem>> -> memref<1x64xf32, #tpu.memory_space<vmem>>
        %dma_start3A_279 = arith.constant 0 : i32
        %dma_start3A_280 = tpu.memref_slice %arg2[%squeeze3A_274, %dma_start3A_279] : memref<1000000x64xf32, #tpu.memory_space<hbm>> -> memref<1x64xf32, #tpu.memory_space<hbm>>
        %dma_start3A_281 = arith.constant 0 : i32
        %dma_start3A_282 = tpu.memref_slice %arg7[%add3A_276, %dma_start3A_281] : memref<400x64xf32, #tpu.memory_space<vmem>> -> memref<1x64xf32, #tpu.memory_space<vmem>>
        %dma_start3A_283 = arith.constant 0 : i32
        %dma_start3A_284 = tpu.memref_slice %arg2[%squeeze3A_274, %dma_start3A_283] : memref<1000000x64xf32, #tpu.memory_space<hbm>> -> memref<1x64xf32, #tpu.memory_space<hbm>>
        tpu.enqueue_dma source(%dma_start3A_284 : memref<1x64xf32, #tpu.memory_space<hbm>>) target(%dma_start3A_282 : memref<1x64xf32, #tpu.memory_space<vmem>>) target_semaphore(%arg9 : memref<!tpu.dma_semaphore, #tpu.memory_space<semaphore_mem>>)
        %slice3A_285 = vector.extract_strided_slice %get3A_118 {offsets = [14], sizes = [1], strides = [1]} : vector<16xi32> to vector<1xi32>
        %squeeze3A_286 = vector.extract %slice3A_285[0] : i32 from vector<1xi32>
        %add3A_287 = arith.constant 14 : i32
        %add3A_288 = arith.addi %mul3A_116, %add3A_287 : i32
        %dma_start3A_289 = arith.constant 0 : i32
        %dma_start3A_290 = tpu.memref_slice %arg7[%add3A_288, %dma_start3A_289] : memref<400x64xf32, #tpu.memory_space<vmem>> -> memref<1x64xf32, #tpu.memory_space<vmem>>
        %dma_start3A_291 = arith.constant 0 : i32
        %dma_start3A_292 = tpu.memref_slice %arg2[%squeeze3A_286, %dma_start3A_291] : memref<1000000x64xf32, #tpu.memory_space<hbm>> -> memref<1x64xf32, #tpu.memory_space<hbm>>
        %dma_start3A_293 = arith.constant 0 : i32
        %dma_start3A_294 = tpu.memref_slice %arg7[%add3A_288, %dma_start3A_293] : memref<400x64xf32, #tpu.memory_space<vmem>> -> memref<1x64xf32, #tpu.memory_space<vmem>>
        %dma_start3A_295 = arith.constant 0 : i32
        %dma_start3A_296 = tpu.memref_slice %arg2[%squeeze3A_286, %dma_start3A_295] : memref<1000000x64xf32, #tpu.memory_space<hbm>> -> memref<1x64xf32, #tpu.memory_space<hbm>>
        tpu.enqueue_dma source(%dma_start3A_296 : memref<1x64xf32, #tpu.memory_space<hbm>>) target(%dma_start3A_294 : memref<1x64xf32, #tpu.memory_space<vmem>>) target_semaphore(%arg9 : memref<!tpu.dma_semaphore, #tpu.memory_space<semaphore_mem>>)
        %slice3A_297 = vector.extract_strided_slice %get3A_118 {offsets = [15], sizes = [1], strides = [1]} : vector<16xi32> to vector<1xi32>
        %squeeze3A_298 = vector.extract %slice3A_297[0] : i32 from vector<1xi32>
        %add3A_299 = arith.constant 15 : i32
        %add3A_300 = arith.addi %mul3A_116, %add3A_299 : i32
        %dma_start3A_301 = arith.constant 0 : i32
        %dma_start3A_302 = tpu.memref_slice %arg7[%add3A_300, %dma_start3A_301] : memref<400x64xf32, #tpu.memory_space<vmem>> -> memref<1x64xf32, #tpu.memory_space<vmem>>
        %dma_start3A_303 = arith.constant 0 : i32
        %dma_start3A_304 = tpu.memref_slice %arg2[%squeeze3A_298, %dma_start3A_303] : memref<1000000x64xf32, #tpu.memory_space<hbm>> -> memref<1x64xf32, #tpu.memory_space<hbm>>
        %dma_start3A_305 = arith.constant 0 : i32
        %dma_start3A_306 = tpu.memref_slice %arg7[%add3A_300, %dma_start3A_305] : memref<400x64xf32, #tpu.memory_space<vmem>> -> memref<1x64xf32, #tpu.memory_space<vmem>>
        %dma_start3A_307 = arith.constant 0 : i32
        %dma_start3A_308 = tpu.memref_slice %arg2[%squeeze3A_298, %dma_start3A_307] : memref<1000000x64xf32, #tpu.memory_space<hbm>> -> memref<1x64xf32, #tpu.memory_space<hbm>>
        tpu.enqueue_dma source(%dma_start3A_308 : memref<1x64xf32, #tpu.memory_space<hbm>>) target(%dma_start3A_306 : memref<1x64xf32, #tpu.memory_space<vmem>>) target_semaphore(%arg9 : memref<!tpu.dma_semaphore, #tpu.memory_space<semaphore_mem>>)
      }
      %scan3A_113 = arith.constant 25 : i32
    }
    %scan3A_30 = arith.constant 31 : i32
    %dma_wait3A_31 = arith.constant 0 : i32
    %dma_wait3A_32 = arith.constant 0 : i32
    %dma_wait3A_33 = tpu.memref_slice %arg2[%dma_wait3A_31, %dma_wait3A_32] : memref<1000000x64xf32, #tpu.memory_space<hbm>> -> memref<400x64xf32, #tpu.memory_space<hbm>>
    %dma_wait3A_34 = arith.constant 0 : i32
    %dma_wait3A_35 = arith.constant 0 : i32
    %dma_wait3A_36 = tpu.memref_slice %arg2[%dma_wait3A_34, %dma_wait3A_35] : memref<1000000x64xf32, #tpu.memory_space<hbm>> -> memref<400x64xf32, #tpu.memory_space<hbm>>
    tpu.wait_dma2 semaphore(%arg9 : memref<!tpu.dma_semaphore, #tpu.memory_space<semaphore_mem>>) src(%dma_wait3A_36 : memref<400x64xf32, #tpu.memory_space<hbm>>) dst(%arg7 : memref<400x64xf32, #tpu.memory_space<vmem>>)
    %add3A_37 = arith.constant 25200 : i32
    %add3A_38 = arith.addi %mul3A_2, %add3A_37 : i32
    %dma_start3A_39 = arith.constant 0 : i32
    %dma_start3A_40 = tpu.memref_slice %arg4[%add3A_38, %dma_start3A_39] : memref<819200x64xf32, #tpu.memory_space<hbm>> -> memref<400x64xf32, #tpu.memory_space<hbm>>
    %dma_start3A_41 = arith.constant 0 : i32
    %dma_start3A_42 = tpu.memref_slice %arg4[%add3A_38, %dma_start3A_41] : memref<819200x64xf32, #tpu.memory_space<hbm>> -> memref<400x64xf32, #tpu.memory_space<hbm>>
    tpu.enqueue_dma source(%arg7 : memref<400x64xf32, #tpu.memory_space<vmem>>) target(%dma_start3A_42 : memref<400x64xf32, #tpu.memory_space<hbm>>) target_semaphore(%arg11 : memref<!tpu.dma_semaphore, #tpu.memory_space<semaphore_mem>>)
    %dma_wait3A_43 = arith.constant 0 : i32
    %dma_wait3A_44 = tpu.memref_slice %arg4[%mul3A_2, %dma_wait3A_43] : memref<819200x64xf32, #tpu.memory_space<hbm>> -> memref<400x64xf32, #tpu.memory_space<hbm>>
    %dma_wait3A_45 = arith.constant 0 : i32
    %dma_wait3A_46 = tpu.memref_slice %arg4[%mul3A_2, %dma_wait3A_45] : memref<819200x64xf32, #tpu.memory_space<hbm>> -> memref<400x64xf32, #tpu.memory_space<hbm>>
    tpu.wait_dma2 semaphore(%arg10 : memref<!tpu.dma_semaphore, #tpu.memory_space<semaphore_mem>>) src(%arg6 : memref<400x64xf32, #tpu.memory_space<vmem>>) dst(%dma_wait3A_46 : memref<400x64xf32, #tpu.memory_space<hbm>>)
    %dma_wait3A_47 = arith.constant 0 : i32
    %dma_wait3A_48 = tpu.memref_slice %arg4[%mul3A_2, %dma_wait3A_47] : memref<819200x64xf32, #tpu.memory_space<hbm>> -> memref<400x64xf32, #tpu.memory_space<hbm>>
    %dma_wait3A_49 = arith.constant 0 : i32
    %dma_wait3A_50 = tpu.memref_slice %arg4[%mul3A_2, %dma_wait3A_49] : memref<819200x64xf32, #tpu.memory_space<hbm>> -> memref<400x64xf32, #tpu.memory_space<hbm>>
    tpu.wait_dma2 semaphore(%arg11 : memref<!tpu.dma_semaphore, #tpu.memory_space<semaphore_mem>>) src(%arg7 : memref<400x64xf32, #tpu.memory_space<vmem>>) dst(%dma_wait3A_50 : memref<400x64xf32, #tpu.memory_space<hbm>>)
    return
  }
}

</mosaic_0001>

<sc_bundles>
// kernel: kernel.3.cloned.1.call-start
scs
__scs_entry_jumppad:
0x0: {  	(pc) =	sbr.rel $0x88, $3  }
0x1: {  	(tag) =	ssettag $0x0;
	lr =	simm.s32 $0x1  }
0x2: {  	[smem:$0x3F9F] =	sst lr;
	_ =	strace $0xD0000000  }
0x3: {  	_ = 	snop  }
0x4: {  	_ = 	snop  }
0x5: {  	_ = 	snop  }
0x6: {  	_ = 	snop  }
0x7: {  	_ = 	snop  }
__scs_overlays_trampoline_lowered:
0x8: {  	[smem:$0x3FAE] =	sst s0  }
0x9: {  	[smem:$0x3FAF] =	sst s1  }
0xa: {  	[smem:$0x3FB0] =	sst s2  }
0xb: {  	[smem:$0x3FB1] =	sst s3  }
0xc: {  	[smem:$0x3FB2] =	sst s4  }
0xd: {  	[smem:$0x3FB3] =	sst s5  }
0xe: {  	[smem:$0x3FB4] =	sst s6  }
0xf: {  	[smem:$0x3FB5] =	sst s7  }
0x10: {  	[smem:$0x3FB6] =	sst s8  }
0x11: {  	[smem:$0x3FB7] =	sst s9;
	s0 =	simm.s32 @!p0 $0x0  }
0x12: {  	s1 =	sld [smem:$0x3F9D];
	s0 =	simm.s32 @p0 $0x1  }
0x13: {  	[smem:$0x3FB8] =	sst s0;
	s0 =	simm.s32 @!p1 $0x0  }
0x14: {  	s2 =	sld [smem:$0x3F9C];
	s0 =	simm.s32 @p1 $0x1  }
0x15: {  	[smem:$0x3FB9] =	sst s0;
	s0 =	simm.s32 @!p2 $0x0  }
0x16: {  	s3 =	sld [smem:$0x3FDB];
	s0 =	simm.s32 @p2 $0x1  }
0x17: {  	s4 =	simm.s32 $0x1BF5;
	[smem:$0x3FBB] =	sst s0  }
0x18: {  	s0 =	sld [smem:$0x3F9E];
	_ =	swait.ge [sflag:s4], $0x0  }
0x19: {  	s7 =	sld [smem:$0x3F9F]  }
0x1a: {  	s8 =	sadd.s32 $0xFFFFE003, lr  }
0x1b: {  	s9 =	sadd.s32 $0xFFFFFEF7, lr;
	s5 =	simm.s32 $0xFFFFFFFF;
	p2 =	slt.u32 s8, $0xFFFFF086  }
0x1c: {  	p1 =	slt.u32 s9, $0xF7A;
	s5 =	simm.s32 @!p2 $0x0  }
0x1d: {  	s5 =	simm.s32 @p1 $0x1;
	p0 =	seq.s32 s7, s2  }
0x1e: {  	s7 =	smul.u32 @!p0 $0xF7A, s2;
	p2 =	seq.s32 @!p0 s5, $0x0  }
0x1f: {  	s9 =	smul.u32 $0xF7A, s1;
	s8 =	simm.s32 @!p0 $0x1BF5;
	p2 =	por !p2, p0  }
0x20: {  	[sflag:s8] =	ssyncset.s32 @!p0 $0xFFFFF086;
	s6 =	sadd.s32 @!p0 s3, s7;
	s7 =	simm.s32 @!p0 $0x108  }
0x21: {  	s3 =	sadd.s32 s3, s9;
	s6 =	sadd.s32 @!p0 $0x88, s6;
	s7 =	simm.s32 @p2 $0x1082  }
0x22: {  	[simem:s7], [sflag:s8] =	dma.local @!p0 [hbm:s6], $0xF7A  }
0x23: {  	s9 =	sor.u32 $0xD0000000, s2;
	s6 =	simm.s32 $0x108;
	_ =	swait.ge @!p0 [sflag:s8], $0x0  }
0x24: {  	s3 =	sadd.s32 $0x88, s3;
	s6 =	simm.s32 @!p1 $0x1082;
	[sflag:s4] =	ssyncset.s32 $0xFFFFF086  }
0x25: {  	[simem:s6], [sflag:s4] =	dma.local [hbm:s3], $0xF7A  }
0x26: {  	[smem:$0x3F9F] =	sst s1;
	(tag) =	ssettag s2;
	_ =	strace s9  }
0x27: {  	s1 =	sld [smem:$0x3FAF]  }
0x28: {  	s2 =	sld [smem:$0x3FB0]  }
0x29: {  	s4 =	sld [smem:$0x3FB2]  }
0x2a: {  	p0 =	seq.s32 s5, $0x0;
	s5 =	sld [smem:$0x3FB3]  }
0x2b: {  	s6 =	sld [smem:$0x3FB4]  }
0x2c: {  	s7 =	sld [smem:$0x3FB5]  }
0x2d: {  	s3 =	simm.s32 $0x108;
	s8 =	sld [smem:$0x3FB6]  }
0x2e: {  	s3 =	simm.s32 @!p0 $0x1082;
	s9 =	sld [smem:$0x3FB7]  }
0x2f: {  	lr =	sadd.s32 s0, s3;
	s0 =	sld [smem:$0x3FAE]  }
0x30: {  	s3 =	sld [smem:$0x3FB1]  }
0x31: {  	[smem:$0x3FBA] =	sst s10  }
0x32: {  	s10 =	sld [smem:$0x3FB8];
	_ =	sdelay $0x3  }
0x33: {  	p0 =	seq.s32 s10, $0x1;
	s10 =	sld [smem:$0x3FBA];
	_ =	sdelay $0x3  }
0x34: {  	[smem:$0x3FBA] =	sst s10  }
0x35: {  	s10 =	sld [smem:$0x3FB9];
	_ =	sdelay $0x3  }
0x36: {  	p1 =	seq.s32 s10, $0x1;
	s10 =	sld [smem:$0x3FBA];
	_ =	sdelay $0x3  }
0x37: {  	[smem:$0x3FBA] =	sst s10  }
0x38: {  	s10 =	sld [smem:$0x3FBB]  }
0x39: {  	_ = 	snop;
	(pc) =	sbr.ind lr, $3  }
0x3a: {  	_ = 	snop  }
0x3b: {  	_ = 	snop  }
0x3c: {  	p2 =	seq.s32 s10, $0x1;
	s10 =	sld [smem:$0x3FBA]  }
0x3d: {  	_ =	shalt  }
0x3e: {  	_ =	shalt  }
0x3f: {  	_ =	shalt  }
0x40: {  	_ =	shalt  }
0x41: {  	_ =	shalt  }
0x42: {  	_ =	shalt  }
0x43: {  	_ =	shalt  }
0x44: {  	_ =	shalt  }
0x45: {  	_ =	shalt  }
0x46: {  	_ =	shalt  }
0x47: {  	_ =	shalt  }
0x48: {  	_ =	shalt  }
0x49: {  	_ =	shalt  }
0x4a: {  	_ =	shalt  }
0x4b: {  	_ =	shalt  }
0x4c: {  	_ =	shalt  }
0x4d: {  	_ =	shalt  }
0x4e: {  	_ =	shalt  }
0x4f: {  	_ =	shalt  }
0x50: {  	_ =	shalt  }
0x51: {  	_ =	shalt  }
0x52: {  	_ =	shalt  }
0x53: {  	_ =	shalt  }
0x54: {  	_ =	shalt  }
0x55: {  	_ =	shalt  }
0x56: {  	_ =	shalt  }
0x57: {  	_ =	shalt  }
0x58: {  	_ =	shalt  }
0x59: {  	_ =	shalt  }
0x5a: {  	_ =	shalt  }
0x5b: {  	_ =	shalt  }
0x5c: {  	_ =	shalt  }
0x5d: {  	_ =	shalt  }
0x5e: {  	_ =	shalt  }
0x5f: {  	_ =	shalt  }
0x60: {  	_ =	shalt  }
0x61: {  	_ =	shalt  }
0x62: {  	_ =	shalt  }
0x63: {  	_ =	shalt  }
0x64: {  	_ =	shalt  }
0x65: {  	_ =	shalt  }
0x66: {  	_ =	shalt  }
0x67: {  	_ =	shalt  }
0x68: {  	_ =	shalt  }
0x69: {  	_ =	shalt  }
0x6a: {  	_ =	shalt  }
0x6b: {  	_ =	shalt  }
0x6c: {  	_ =	shalt  }
0x6d: {  	_ =	shalt  }
0x6e: {  	_ =	shalt  }
0x6f: {  	_ =	shalt  }
0x70: {  	_ =	shalt  }
0x71: {  	_ =	shalt  }
0x72: {  	_ =	shalt  }
0x73: {  	_ =	shalt  }
0x74: {  	_ =	shalt  }
0x75: {  	_ =	shalt  }
0x76: {  	_ =	shalt  }
0x77: {  	_ =	shalt  }
0x78: {  	_ =	shalt  }
0x79: {  	_ =	shalt  }
0x7a: {  	_ =	shalt  }
0x7b: {  	_ =	shalt  }
0x7c: {  	_ =	shalt  }
0x7d: {  	_ =	shalt  }
0x7e: {  	_ =	shalt  }
0x7f: {  	_ =	shalt  }
0x80: {  	_ =	shalt  }
0x81: {  	_ =	shalt  }
0x82: {  	_ =	shalt  }
0x83: {  	_ =	shalt  }
0x84: {  	_ =	shalt  }
0x85: {  	_ =	shalt  }
0x86: {  	_ =	shalt  }
0x87: {  	_ =	shalt  }
.Lfunc_end0:
.L_simem_size_0:
called_computation.1_lowered:
.L_overlay_start_0:
0x88: {  	s2 =	sld [smem:$0x3FD9]  }
0x89: {  	s3 =	sld [smem:$0x3FFE];
	_ =	sdelay $0x1  }
0x8a: {  	s1 =	srdreg.scid  }
0x8b: {  	s0 =	sand.u32 $0x1, s1  }
0x8c: {  	s17 =	sshll.u32 s0, $0xA;
	s2 =	sadd.s32 s3, s2  }
0x8d: {  	s2 =	sadd.s32 s2, s17  }
0x8e: {  	[smem:$0x3FC6] =	sst s2  }
0x8f: {  	_ = 	snop  }
0x90: {  	s2 =	sld [smem:$0x3FD0];
	(tm) =	ssettm $0x1  }
0x91: {  	s18 =	sld [smem:$0x3FFB];
	_ =	sdelay $0x3  }
0x92: {  	_ =	strace s18  }
0x93: {  	s3 =	sld [smem:$0x3FFC];
	_ =	sdelay $0x3  }
0x94: {  	_ =	strace s3  }
0x95: {  	s3 =	sld [smem:$0x3FFD];
	_ =	sdelay $0x3  }
0x96: {  	_ =	strace s3  }
0x97: {  	_ =	strace $0x8FFFFFFF  }
0x98: {  	s19 =	sld [smem:$0x3FDB];
	_ =	sdelay $0x1  }
0x99: {  	s4 =	simm.s32 $_scs_section_size  }
0x9a: {  	s5 =	simm.s32 $_size__tile_overlayer_lowered;
	s6 =	simm.s32 $_tile_overlayer_lowered  }
0x9b: {  	s22 =	simm.s32 $0x1BFF;
	s21 =	sshll.u32 s6, $0x1;
	s3 =	sadd.s32 s4, s19  }
0x9c: {  	s7 =	simm.s32 $0x0;
	s20 =	sshll.u32 s5, $0x1;
	s5 =	sadd.s32 s21, s3  }
0x9d: {  	[timem:s7], [sflag:s22] =	dma.local [hbm:s5], s20  }
0x9e: {  	_ =	swait.ge [sflag:s22], s20  }
0x9f: {  	s4 =	ssub.s32 $0x0, s20;
	[sflag:s22] =	ssyncset.done $0x0  }
0xa0: {  	[sflag:s22] =	ssyncadd.s32 s4;
	_ =	sdelay $0x1  }
0xa1: {  	s23 =	simm.s32 $0x1B8B  }
0xa2: {  	_ =	swait.ge [sflag:s23], $0x1  }
0xa3: {  	[sflag:s23] =	ssyncset.done $0x0  }
0xa4: {  	s25 =	simm.s32 $0x1B8E;
	s24 =	sld [smem:$0x3FFE];
	[sflag:s23] =	ssyncadd.s32 $0xFFFFFFFF  }
0xa5: {  	s26 =	simm.s32 $execute0_lowered;
	[smem:$0x3FD2] =	sst s25  }
0xa6: {  	s5 =	sshll.u32 s26, $0x1;
	_ =	strace $0x80000046;
	[dreg:$0x1] =	wrdreg $0xFFFFFFFF  }
0xa7: {  	s28 =	simm.s32 $_size_execute0_lowered;
	s3 =	sadd.s32 s3, s5;
	[dreg:$0x0] =	wrdreg $0x0  }
0xa8: {  	s5 =	sshll.u32 s28, $0x1;
	[dreg:$0x2] =	wrdreg s3  }
0xa9: {  	[dreg:$0x3] =	wrdreg s5  }
0xaa: {  	[dreg:$0x4] =	wrdreg $0xC0  }
0xab: {  	_ =	task [dreg:s7], $0x5FFFF  }
0xac: {  	[dreg:$0x1] =	wrdreg $0xFFFFFFFF  }
0xad: {  	[dreg:$0x0] =	wrdreg $0x60  }
0xae: {  	[dreg:$0x2] =	wrdreg s24  }
0xaf: {  	[dreg:$0x3] =	wrdreg s2  }
0xb0: {  	[dreg:$0x4] =	wrdreg $0x9  }
0xb1: {  	_ =	task.clear_ibuf [dreg:s7], $0x5FFFF;
	_ =	strace $0x90000046  }
0xb2: {  	s29 =	simm.s32 $0x9;
	_ =	strace $0x80000048  }
0xb3: {  	_ =	swait.ge [sflag:s29], $0x1  }
0xb4: {  	[sflag:s29] =	ssyncadd.s32 $0xFFFFFFFF  }
0xb5: {  	_ =	strace $0x90000048  }
0xb6: {  	_ =	sfence  }
0xb7: {  	s30 =	sld [smem:$0x0];
	_ =	sdelay $0x2  }
0xb8: {  	s31 =	sshll.u32 s1, $0xD;
	s1 =	sshrl.u32 s1, $0x2  }
0xb9: {  	s3 =	sand.u32 $0x4000, s31;
	s1 =	sadd.s32 s1, s30  }
0xba: {  	s0 =	sor.u32 s3, s0;
	s1 =	sshll.u32 s1, $0x11  }
0xbb: {  	s0 =	sor.u32 s1, s0  }
0xbc: {  	s0 =	sadd.s32 $0x8F2B, s0  }
0xbd: {  	[sflag:s0] =	ssyncadd.remote.s32 $0x1  }
0xbe: {  	_ =	sfence.sel $0xFFFF  }
0xbf: {  	[dreg:$0x0] =	wrdreg $0xFFFFFFFF;
	(pc) =	sbr.abs _section_cstart, $3  }
0xc0: {  	[dreg:$0x1] =	wrdreg $0xFFFFFFFF  }
0xc1: {  	_ =	task.clear_ibuf [dreg:s7], $0x2FFFF;
	_ =	strace $0x9FFFFFFF  }
0xc2: {  	(tm) =	ssettm $0x7FFFFFFF  }
0xc3: {  	_ =	shalt  }
tec
execute0_lowered:
.L_overlay_start_1:
0x0: {  	(tag) =	ssettag $0x1  }
0x1: {  	s1 =	srdreg.scid;
	s2 =	stileid.u32  }
0x2: {  	s0 =	rddreg [dreg:$0x0];
	s1 =	sand.u32 $0x1, s1;
	s4 =	sshll.u32 s2, $0x1  }
0x3: {  	s10 =	rddreg [dreg:$0x1];
	s5 =	sor.u32 s1, s4  }
0x4: {  	s3 =	simm.s32 $0x0;
	s14 =	simm.s32 $0x5;
	s7 =	smul.u32 $0x6400, s5  }
0x5: {  	s15 =	simm.s32 $0x1;
	s17 =	simm.s32 $0x2;
	s8 =	smul.u32 $0x64000, s5  }
0x6: {  	[smem:$0x7FF] =	sst s3;
	s9 =	smul.u32 $0x320000, s5;
	s5 =	sadd.s32 $0xF42C00, s0  }
0x7: {  	_ =	strace $0x80000047;
	s1 =	ssub.s32 $0x2, s1;
	s26 =	sadd.s32 s5, s8  }
0x8: {  	s4 =	sadd.s32 $0x800, s0;
	s29 =	sor.u32 $0x190, s7;
	[dreg:$0x4] =	wrdreg s26  }
0x9: {  	s6 =	sshrl.u32 s1, $0x1;
	s30 =	sor.u32 $0x320, s7;
	[dreg:$0x6] =	wrdreg s29  }
0xa: {  	s23 =	ssub.s32 s1, s6;
	s31 =	sadd.s32 $0x4B0, s7;
	[dreg:$0x7] =	wrdreg s30  }
0xb: {  	s24 =	sshrl.u32 s7, $0x3;
	s0 =	smax.u32 s23, $0x1;
	[dreg:$0x8] =	wrdreg s31  }
0xc: {  	s28 =	sshrl.u32 s9, $0x3;
	s25 =	sadd.s32 s10, s24;
	[dreg:$0xa] =	wrdreg s0  }
0xd: {  	s1 =	sadd.s32 s5, s28;
	[dreg:$0x3] =	wrdreg s25;
	s2 =	sadd.s32 $0x32, s25  }
0xe: {  	s19 =	simm.s32 $0x3;
	s1 =	sadd.s32 $0x62700, s1;
	[dreg:$0x5] =	wrdreg s2  }
0xf: {  	s20 =	simm.s32 $0x4;
	[dreg:$0x9] =	wrdreg s1;
	s1 =	simm.s32 $0x0  }
.LBB2_1:
0x10: {  	[dreg:$0xb] =	wrdreg s1  }
0x11: {  	s0 =	rddreg [dreg:$0x3]  }
0x12: {  	[tilespmem:s3], [sflag:$0x5] =	stream.linear.gather [hbm4b:s0+s3], $0x190, $0x38;
	[tilespmem:$0x19200] =	vst v63  }
0x13: {  	_ =	swait.ge [sflag:s14], $0x190  }
0x14: {  	[sflag:s14] =	ssyncset.done $0x0  }
0x15: {  	[sflag:s14] =	ssyncadd.s32 $0xFFFFFE70  }
0x16: {  	v0 =	vld [tilespmem:s3+$0x0];
	_ =	sdelay $0x4  }
0x17: {  	v0 =	vshll.u32 v0, $0x4  }
0x18: {  	(v2sf) =	vpush v0, $0x0  }
0x19: {  	(v2sf) =	vpush v0, $0x1  }
0x1a: {  	(v2sf) =	vpush v0, $0x2;
	_ =	sdelay $0x1  }
0x1b: {  	(v2sf) =	vpush v0, $0x4;
	_ =	sdelay $0x1  }
0x1c: {  	(v2sf) =	vpush v0, $0x3  }
0x1d: {  	(v2sf) =	vpush v0, $0x5  }
0x1e: {  	s23 =	simm.s32 $0x2000;
	s22 =	simm.s32 $0x0;
	s24 =	simm.s32 $0x0;
	(v2sf) =	vpush v0, $0x6  }
.LBB2_2:
0x1f: {  	p0 =	sne.s32 s23, $0x30000  }
0x20: {  	s13 =	sadd.s32 $0x280, s22;
	s29 =	sadd.s32 $0x780, s22;
	s25 =	smov.u32 s23  }
0x21: {  	s23 =	sadd.s32 $0x2000, s23;
	s7 =	sadd.s32 $0x580, s22;
	s26 =	sadd.s32 $0x800, s22;
	(v2sf) =	vpush v0, $0x7  }
0x22: {  	s12 =	sadd.s32 $0x480, s22;
	s0 =	sadd.s32 $0x600, s22;
	s28 =	sadd.s32 $0x880, s22  }
0x23: {  	s30 =	sadd.s32 $0x200, s22;
	s31 =	sadd.s32 $0x400, s22;
	(v2sf) =	vpush v0, $0x8  }
0x24: {  	s6 =	sadd.s32 $0x500, s22;
	s24 =	sadd.s32 $0x10, s24  }
0x25: {  	s21 =	sadd.s32 $0x300, s22;
	s1 =	sadd.s32 $0x700, s22;
	s8 =	spop (v2sf);
	(v2sf) =	vpush v0, $0x9  }
0x26: {  	s16 =	sand.u32 $0x1FFFFFF0, s8;
	s8 =	sadd.s32 $0x680, s22;
	s18 =	spop (v2sf)  }
0x27: {  	s16 =	sadd.s32 s4, s16;
	s18 =	sand.u32 $0x1FFFFFF0, s18;
	s2 =	spop (v2sf);
	(v2sf) =	vpush v0, $0xA  }
0x28: {  	[tilespmem:s30], [sflag:$0x1] =	stream.linear.gather [hbm4b:s16+s3], $0x80, $0x38;
	[tilespmem:$0x19200] =	vst v63  }
0x29: {  	s16 =	sadd.s32 s4, s18;
	s18 =	sadd.s32 $0x380, s22;
	s30 =	spop (v2sf);
	(v2sf) =	vpush v0, $0xB  }
0x2a: {  	[tilespmem:s13], [sflag:$0x1] =	stream.linear.gather [hbm4b:s16+s3], $0x80, $0x38;
	[tilespmem:$0x19200] =	vst v63  }
0x2b: {  	s2 =	sand.u32 $0x1FFFFFF0, s2;
	s13 =	sand.u32 $0x1FFFFFF0, s30;
	s16 =	spop (v2sf);
	(v2sf) =	vpush v0, $0xC  }
0x2c: {  	s2 =	sadd.s32 s4, s2;
	s16 =	sand.u32 $0x1FFFFFF0, s16;
	s30 =	spop (v2sf)  }
0x2d: {  	[tilespmem:s21], [sflag:$0x1] =	stream.linear.gather [hbm4b:s2+s3], $0x80, $0x38;
	(v2sf) =	vpush v0, $0xD;
	[tilespmem:$0x19200] =	vst v63  }
0x2e: {  	s2 =	sadd.s32 s4, s16;
	s16 =	sand.u32 $0x1FFFFFF0, s30;
	s21 =	spop (v2sf)  }
0x2f: {  	[tilespmem:s18], [sflag:$0x1] =	stream.linear.gather [hbm4b:s2+s3], $0x80, $0x38;
	(v2sf) =	vpush v0, $0xE;
	[tilespmem:$0x19200] =	vst v63  }
0x30: {  	s2 =	sadd.s32 s4, s13;
	s13 =	sand.u32 $0x1FFFFFF0, s21;
	s18 =	spop (v2sf)  }
0x31: {  	[tilespmem:s31], [sflag:$0x1] =	stream.linear.gather [hbm4b:s2+s3], $0x80, $0x38;
	(v2sf) =	vpush v0, $0xF;
	[tilespmem:$0x19200] =	vst v63  }
0x32: {  	s2 =	sadd.s32 s4, s16;
	s16 =	sand.u32 $0x1FFFFFF0, s18;
	s18 =	spop (v2sf)  }
0x33: {  	[tilespmem:s12], [sflag:$0x1] =	stream.linear.gather [hbm4b:s2+s3], $0x80, $0x38;
	[tilespmem:$0x19200] =	vst v63  }
0x34: {  	s2 =	sadd.s32 s4, s13;
	s12 =	sand.u32 $0x1FFFFFF0, s18;
	s13 =	spop (v2sf)  }
0x35: {  	[tilespmem:s6], [sflag:$0x1] =	stream.linear.gather [hbm4b:s2+s3], $0x80, $0x38;
	[tilespmem:$0x19200] =	vst v63  }
0x36: {  	s2 =	sadd.s32 s4, s16;
	s6 =	sand.u32 $0x1FFFFFF0, s13;
	s13 =	spop (v2sf)  }
0x37: {  	[tilespmem:s7], [sflag:$0x1] =	stream.linear.gather [hbm4b:s2+s3], $0x80, $0x38;
	[tilespmem:$0x19200] =	vst v63  }
0x38: {  	s2 =	sadd.s32 s4, s12;
	s7 =	sand.u32 $0x1FFFFFF0, s13;
	s12 =	spop (v2sf)  }
0x39: {  	[tilespmem:s0], [sflag:$0x1] =	stream.linear.gather [hbm4b:s2+s3], $0x80, $0x38;
	[tilespmem:$0x19200] =	vst v63  }
0x3a: {  	s0 =	sadd.s32 s4, s6;
	s2 =	sand.u32 $0x1FFFFFF0, s12;
	s6 =	spop (v2sf)  }
0x3b: {  	[tilespmem:s8], [sflag:$0x1] =	stream.linear.gather [hbm4b:s0+s3], $0x80, $0x38;
	[tilespmem:$0x19200] =	vst v63  }
0x3c: {  	s0 =	sadd.s32 s4, s7;
	s6 =	sand.u32 $0x1FFFFFF0, s6;
	s7 =	spop (v2sf)  }
0x3d: {  	[tilespmem:s1], [sflag:$0x1] =	stream.linear.gather [hbm4b:s0+s3], $0x80, $0x38;
	[tilespmem:$0x19200] =	vst v63  }
0x3e: {  	s0 =	sadd.s32 s4, s2;
	s1 =	sand.u32 $0x1FFFFFF0, s7;
	s2 =	spop (v2sf)  }
0x3f: {  	[tilespmem:s29], [sflag:$0x1] =	stream.linear.gather [hbm4b:s0+s3], $0x80, $0x38;
	[tilespmem:$0x19200] =	vst v63  }
0x40: {  	s0 =	sadd.s32 s4, s6;
	s2 =	sand.u32 $0x1FFFFFF0, s2;
	s6 =	spop (v2sf)  }
0x41: {  	[tilespmem:s26], [sflag:$0x1] =	stream.linear.gather [hbm4b:s0+s3], $0x80, $0x38;
	[tilespmem:$0x19200] =	vst v63  }
0x42: {  	s0 =	sadd.s32 s4, s1;
	s1 =	sand.u32 $0x1FFFFFF0, s6  }
0x43: {  	[tilespmem:s28], [sflag:$0x1] =	stream.linear.gather [hbm4b:s0+s3], $0x80, $0x38;
	[tilespmem:$0x19200] =	vst v63  }
0x44: {  	s2 =	sadd.s32 s4, s2;
	s0 =	sadd.s32 $0x900, s22  }
0x45: {  	[tilespmem:s0], [sflag:$0x1] =	stream.linear.gather [hbm4b:s2+s3], $0x80, $0x38;
	[tilespmem:$0x19200] =	vst v63  }
0x46: {  	s1 =	sadd.s32 s4, s1;
	s0 =	sadd.s32 $0x980, s22  }
0x47: {  	[tilespmem:s0], [sflag:$0x1] =	stream.linear.gather [hbm4b:s1+s3], $0x80, $0x38;
	[tilespmem:$0x19200] =	vst v63  }
0x48: {  	v0 =	vld [tilespmem:s24+$0x0];
	_ =	sdelay $0x4  }
0x49: {  	v0 =	vshll.u32 v0, $0x4  }
0x4a: {  	(v2sf) =	vpush v0, $0x0  }
0x4b: {  	(v2sf) =	vpush v0, $0x1  }
0x4c: {  	(v2sf) =	vpush v0, $0x2;
	_ =	sdelay $0x1  }
0x4d: {  	(v2sf) =	vpush v0, $0x4  }
.Ltmp0:
0x4e: {  	(pc) =	sbr.rel @p0 .LBB2_2-.Ltmp0, $3  }
0x4f: {  	(v2sf) =	vpush v0, $0x3  }
0x50: {  	(v2sf) =	vpush v0, $0x5;
	_ =	sdelay $0x1  }
0x51: {  	s22 =	sshra.s32 s25, $0x2;
	(v2sf) =	vpush v0, $0x6  }
0x52: {  	_ =	sdelay $0x1  }
0x53: {  	s2 =	sadd.s32 $0x280, s22;
	s7 =	sadd.s32 $0x780, s22  }
0x54: {  	s6 =	sadd.s32 $0x580, s22;
	s0 =	sadd.s32 $0x800, s22;
	(v2sf) =	vpush v0, $0x7;
	s8 =	sadd.s32 $0x480, s22  }
0x55: {  	s12 =	sadd.s32 $0x600, s22;
	s1 =	sadd.s32 $0x880, s22;
	s13 =	sadd.s32 $0x200, s22  }
0x56: {  	s16 =	sadd.s32 $0x400, s22;
	s18 =	sadd.s32 $0x500, s22;
	(v2sf) =	vpush v0, $0x8;
	s21 =	spop (v2sf)  }
0x57: {  	s23 =	sadd.s32 $0x300, s22;
	s21 =	sand.u32 $0x1FFFFFF0, s21;
	s24 =	spop (v2sf)  }
0x58: {  	(v2sf) =	vpush v0, $0x9;
	s21 =	sadd.s32 s4, s21;
	s24 =	sand.u32 $0x1FFFFFF0, s24;
	s25 =	spop (v2sf)  }
0x59: {  	[tilespmem:s13], [sflag:$0x1] =	stream.linear.gather [hbm4b:s21+s3], $0x80, $0x38;
	[tilespmem:$0x19200] =	vst v63  }
0x5a: {  	(v2sf) =	vpush v0, $0xA;
	s26 =	sadd.s32 s4, s24;
	s29 =	sand.u32 $0x1FFFFFF0, s25;
	s28 =	spop (v2sf)  }
0x5b: {  	[tilespmem:s2], [sflag:$0x1] =	stream.linear.gather [hbm4b:s26+s3], $0x80, $0x38;
	[tilespmem:$0x19200] =	vst v63  }
0x5c: {  	s13 =	sadd.s32 $0x700, s22;
	(v2sf) =	vpush v0, $0xB;
	s21 =	sadd.s32 s4, s29;
	s30 =	spop (v2sf)  }
0x5d: {  	s2 =	sadd.s32 $0x680, s22;
	s26 =	sadd.s32 $0x380, s22;
	s25 =	sand.u32 $0x1FFFFFF0, s30  }
0x5e: {  	(v2sf) =	vpush v0, $0xC;
	[tilespmem:s23], [sflag:$0x1] =	stream.linear.gather [hbm4b:s21+s3], $0x80, $0x38;
	[tilespmem:$0x19200] =	vst v63  }
0x5f: {  	s31 =	sand.u32 $0x1FFFFFF0, s28;
	s9 =	spop (v2sf);
	s10 =	sadd.s32 s4, s25  }
0x60: {  	(v2sf) =	vpush v0, $0xD;
	[tilespmem:s26], [sflag:$0x1] =	stream.linear.gather [hbm4b:s10+s3], $0x80, $0x38;
	[tilespmem:$0x19200] =	vst v63  }
0x61: {  	s21 =	sadd.s32 s4, s31;
	s23 =	sand.u32 $0x1FFFFFF0, s9;
	s11 =	spop (v2sf)  }
0x62: {  	(v2sf) =	vpush v0, $0xE;
	[tilespmem:s16], [sflag:$0x1] =	stream.linear.gather [hbm4b:s21+s3], $0x80, $0x38;
	[tilespmem:$0x19200] =	vst v63  }
0x63: {  	s23 =	sadd.s32 s4, s23;
	s24 =	sand.u32 $0x1FFFFFF0, s11;
	s25 =	spop (v2sf)  }
0x64: {  	(v2sf) =	vpush v0, $0xF;
	[tilespmem:s8], [sflag:$0x1] =	stream.linear.gather [hbm4b:s23+s3], $0x80, $0x38;
	[tilespmem:$0x19200] =	vst v63  }
0x65: {  	s26 =	sand.u32 $0x1FFFFFF0, s25;
	s28 =	spop (v2sf);
	s16 =	sadd.s32 s4, s24  }
0x66: {  	[tilespmem:s18], [sflag:$0x1] =	stream.linear.gather [hbm4b:s16+s3], $0x80, $0x38;
	[tilespmem:$0x19200] =	vst v63  }
0x67: {  	s29 =	sand.u32 $0x1FFFFFF0, s28;
	s8 =	sadd.s32 s4, s26;
	s30 =	spop (v2sf)  }
0x68: {  	[tilespmem:s6], [sflag:$0x1] =	stream.linear.gather [hbm4b:s8+s3], $0x80, $0x38;
	[tilespmem:$0x19200] =	vst v63  }
0x69: {  	s16 =	sadd.s32 s4, s29;
	s31 =	sand.u32 $0x1FFFFFF0, s30;
	s9 =	spop (v2sf)  }
0x6a: {  	[tilespmem:s12], [sflag:$0x1] =	stream.linear.gather [hbm4b:s16+s3], $0x80, $0x38;
	[tilespmem:$0x19200] =	vst v63  }
0x6b: {  	s8 =	sand.u32 $0x1FFFFFF0, s9;
	s6 =	sadd.s32 s4, s31;
	s10 =	spop (v2sf)  }
0x6c: {  	[tilespmem:s2], [sflag:$0x1] =	stream.linear.gather [hbm4b:s6+s3], $0x80, $0x38;
	[tilespmem:$0x19200] =	vst v63  }
0x6d: {  	s8 =	sadd.s32 s4, s8;
	s11 =	sand.u32 $0x1FFFFFF0, s10;
	s12 =	spop (v2sf)  }
0x6e: {  	[tilespmem:s13], [sflag:$0x1] =	stream.linear.gather [hbm4b:s8+s3], $0x80, $0x38;
	[tilespmem:$0x19200] =	vst v63  }
0x6f: {  	s2 =	sadd.s32 s4, s11;
	s6 =	sand.u32 $0x1FFFFFF0, s12;
	s16 =	spop (v2sf)  }
0x70: {  	[tilespmem:s7], [sflag:$0x1] =	stream.linear.gather [hbm4b:s2+s3], $0x80, $0x38;
	[tilespmem:$0x19200] =	vst v63  }
0x71: {  	s18 =	sand.u32 $0x1FFFFFF0, s16;
	s6 =	sadd.s32 s4, s6;
	s21 =	spop (v2sf)  }
0x72: {  	[tilespmem:s0], [sflag:$0x1] =	stream.linear.gather [hbm4b:s6+s3], $0x80, $0x38;
	[tilespmem:$0x19200] =	vst v63  }
0x73: {  	s23 =	sand.u32 $0x1FFFFFF0, s21;
	s24 =	spop (v2sf);
	s2 =	sadd.s32 s4, s18  }
0x74: {  	[tilespmem:s1], [sflag:$0x1] =	stream.linear.gather [hbm4b:s2+s3], $0x80, $0x38;
	[tilespmem:$0x19200] =	vst v63  }
0x75: {  	s26 =	sadd.s32 $0x900, s22;
	s25 =	sand.u32 $0x1FFFFFF0, s24;
	s0 =	sadd.s32 s4, s23  }
0x76: {  	[tilespmem:s26], [sflag:$0x1] =	stream.linear.gather [hbm4b:s0+s3], $0x80, $0x38;
	[tilespmem:$0x19200] =	vst v63  }
0x77: {  	s28 =	sadd.s32 $0x980, s22;
	s1 =	sadd.s32 s4, s25  }
0x78: {  	[tilespmem:s28], [sflag:$0x1] =	stream.linear.gather [hbm4b:s1+s3], $0x80, $0x38;
	[tilespmem:$0x19200] =	vst v63  }
0x79: {  	_ =	swait.ge [sflag:s15], $0xC800  }
0x7a: {  	s22 =	simm.s32 $0x0;
	[sflag:s15] =	ssyncset.done $0x0  }
0x7b: {  	s30 =	simm.s32 $0x200;
	s29 =	rddreg [dreg:$0x4];
	[sflag:s15] =	ssyncadd.s32 $0xFFFF3800  }
0x7c: {  	[hbm4b:s29+s22] =	stream.linear.scatter [tilespmem:s30], [sflag:$0x3], $0xC800, $0x38;
	[tilespmem:$0x19200] =	vst v63  }
0x7d: {  	s31 =	rddreg [dreg:$0x5]  }
0x7e: {  	[tilespmem:s22], [sflag:$0x5] =	stream.linear.gather [hbm4b:s31+s22], $0x190, $0x38;
	[tilespmem:$0x19200] =	vst v63  }
0x7f: {  	_ =	swait.ge [sflag:s14], $0x190  }
0x80: {  	[sflag:s14] =	ssyncset.done $0x0  }
0x81: {  	[sflag:s14] =	ssyncadd.s32 $0xFFFFFE70  }
0x82: {  	v0 =	vld [tilespmem:s22+$0x0];
	_ =	sdelay $0x4  }
0x83: {  	v0 =	vshll.u32 v0, $0x4  }
0x84: {  	(v2sf) =	vpush v0, $0x0  }
0x85: {  	(v2sf) =	vpush v0, $0x1  }
0x86: {  	(v2sf) =	vpush v0, $0x2;
	_ =	sdelay $0x1  }
0x87: {  	(v2sf) =	vpush v0, $0x4;
	_ =	sdelay $0x1  }
0x88: {  	(v2sf) =	vpush v0, $0x3  }
0x89: {  	(v2sf) =	vpush v0, $0x5  }
0x8a: {  	s24 =	simm.s32 $0x2000;
	s23 =	simm.s32 $0x0;
	s25 =	simm.s32 $0x0;
	(v2sf) =	vpush v0, $0x6  }
.LBB2_4:
0x8b: {  	p0 =	sne.s32 s24, $0x30000  }
0x8c: {  	s2 =	sadd.s32 $0xCA80, s23;
	s30 =	sadd.s32 $0xCF80, s23;
	s26 =	smov.u32 s24  }
0x8d: {  	s24 =	sadd.s32 $0x2000, s24;
	s7 =	sadd.s32 $0xCD80, s23;
	s28 =	sadd.s32 $0xD000, s23;
	(v2sf) =	vpush v0, $0x7  }
0x8e: {  	s12 =	sadd.s32 $0xCC80, s23;
	s0 =	sadd.s32 $0xCE00, s23;
	s29 =	sadd.s32 $0xD080, s23  }
0x8f: {  	s6 =	sadd.s32 $0xCA00, s23;
	s13 =	sadd.s32 $0xCC00, s23;
	(v2sf) =	vpush v0, $0x8  }
0x90: {  	s16 =	sadd.s32 $0xCD00, s23;
	s25 =	sadd.s32 $0x10, s25  }
0x91: {  	s18 =	sadd.s32 $0xCB00, s23;
	s1 =	sadd.s32 $0xCF00, s23;
	s8 =	spop (v2sf);
	(v2sf) =	vpush v0, $0x9  }
0x92: {  	s21 =	sand.u32 $0x1FFFFFF0, s8;
	s8 =	sadd.s32 $0xCE80, s23;
	s31 =	spop (v2sf)  }
0x93: {  	s21 =	sadd.s32 s4, s21;
	s31 =	sand.u32 $0x1FFFFFF0, s31;
	s9 =	spop (v2sf);
	(v2sf) =	vpush v0, $0xA  }
0x94: {  	[tilespmem:s6], [sflag:$0x2] =	stream.linear.gather [hbm4b:s21+s22], $0x80, $0x38;
	[tilespmem:$0x19200] =	vst v63  }
0x95: {  	s6 =	sadd.s32 s4, s31;
	s21 =	sadd.s32 $0xCB80, s23;
	s31 =	spop (v2sf);
	(v2sf) =	vpush v0, $0xB  }
0x96: {  	[tilespmem:s2], [sflag:$0x2] =	stream.linear.gather [hbm4b:s6+s22], $0x80, $0x38;
	[tilespmem:$0x19200] =	vst v63  }
0x97: {  	s2 =	sand.u32 $0x1FFFFFF0, s9;
	s6 =	sand.u32 $0x1FFFFFF0, s31;
	s9 =	spop (v2sf);
	(v2sf) =	vpush v0, $0xC  }
0x98: {  	s2 =	sadd.s32 s4, s2;
	s9 =	sand.u32 $0x1FFFFFF0, s9;
	s31 =	spop (v2sf)  }
0x99: {  	[tilespmem:s18], [sflag:$0x2] =	stream.linear.gather [hbm4b:s2+s22], $0x80, $0x38;
	(v2sf) =	vpush v0, $0xD;
	[tilespmem:$0x19200] =	vst v63  }
0x9a: {  	s2 =	sadd.s32 s4, s9;
	s9 =	sand.u32 $0x1FFFFFF0, s31;
	s18 =	spop (v2sf)  }
0x9b: {  	[tilespmem:s21], [sflag:$0x2] =	stream.linear.gather [hbm4b:s2+s22], $0x80, $0x38;
	(v2sf) =	vpush v0, $0xE;
	[tilespmem:$0x19200] =	vst v63  }
0x9c: {  	s2 =	sadd.s32 s4, s6;
	s6 =	sand.u32 $0x1FFFFFF0, s18;
	s18 =	spop (v2sf)  }
0x9d: {  	[tilespmem:s13], [sflag:$0x2] =	stream.linear.gather [hbm4b:s2+s22], $0x80, $0x38;
	(v2sf) =	vpush v0, $0xF;
	[tilespmem:$0x19200] =	vst v63  }
0x9e: {  	s2 =	sadd.s32 s4, s9;
	s9 =	sand.u32 $0x1FFFFFF0, s18;
	s13 =	spop (v2sf)  }
0x9f: {  	[tilespmem:s12], [sflag:$0x2] =	stream.linear.gather [hbm4b:s2+s22], $0x80, $0x38;
	[tilespmem:$0x19200] =	vst v63  }
0xa0: {  	s2 =	sadd.s32 s4, s6;
	s6 =	sand.u32 $0x1FFFFFF0, s13;
	s12 =	spop (v2sf)  }
0xa1: {  	[tilespmem:s16], [sflag:$0x2] =	stream.linear.gather [hbm4b:s2+s22], $0x80, $0x38;
	[tilespmem:$0x19200] =	vst v63  }
0xa2: {  	s2 =	sadd.s32 s4, s9;
	s9 =	sand.u32 $0x1FFFFFF0, s12;
	s12 =	spop (v2sf)  }
0xa3: {  	[tilespmem:s7], [sflag:$0x2] =	stream.linear.gather [hbm4b:s2+s22], $0x80, $0x38;
	[tilespmem:$0x19200] =	vst v63  }
0xa4: {  	s2 =	sadd.s32 s4, s6;
	s6 =	sand.u32 $0x1FFFFFF0, s12;
	s7 =	spop (v2sf)  }
0xa5: {  	[tilespmem:s0], [sflag:$0x2] =	stream.linear.gather [hbm4b:s2+s22], $0x80, $0x38;
	[tilespmem:$0x19200] =	vst v63  }
0xa6: {  	s0 =	sadd.s32 s4, s9;
	s2 =	sand.u32 $0x1FFFFFF0, s7;
	s7 =	spop (v2sf)  }
0xa7: {  	[tilespmem:s8], [sflag:$0x2] =	stream.linear.gather [hbm4b:s0+s22], $0x80, $0x38;
	[tilespmem:$0x19200] =	vst v63  }
0xa8: {  	s0 =	sadd.s32 s4, s6;
	s6 =	sand.u32 $0x1FFFFFF0, s7;
	s7 =	spop (v2sf)  }
0xa9: {  	[tilespmem:s1], [sflag:$0x2] =	stream.linear.gather [hbm4b:s0+s22], $0x80, $0x38;
	[tilespmem:$0x19200] =	vst v63  }
0xaa: {  	s0 =	sadd.s32 s4, s2;
	s1 =	sand.u32 $0x1FFFFFF0, s7;
	s2 =	spop (v2sf)  }
0xab: {  	[tilespmem:s30], [sflag:$0x2] =	stream.linear.gather [hbm4b:s0+s22], $0x80, $0x38;
	[tilespmem:$0x19200] =	vst v63  }
0xac: {  	s0 =	sadd.s32 s4, s6;
	s2 =	sand.u32 $0x1FFFFFF0, s2;
	s6 =	spop (v2sf)  }
0xad: {  	[tilespmem:s28], [sflag:$0x2] =	stream.linear.gather [hbm4b:s0+s22], $0x80, $0x38;
	[tilespmem:$0x19200] =	vst v63  }
0xae: {  	s0 =	sadd.s32 s4, s1;
	s1 =	sand.u32 $0x1FFFFFF0, s6  }
0xaf: {  	[tilespmem:s29], [sflag:$0x2] =	stream.linear.gather [hbm4b:s0+s22], $0x80, $0x38;
	[tilespmem:$0x19200] =	vst v63  }
0xb0: {  	s2 =	sadd.s32 s4, s2;
	s0 =	sadd.s32 $0xD100, s23  }
0xb1: {  	[tilespmem:s0], [sflag:$0x2] =	stream.linear.gather [hbm4b:s2+s22], $0x80, $0x38;
	[tilespmem:$0x19200] =	vst v63  }
0xb2: {  	s1 =	sadd.s32 s4, s1;
	s0 =	sadd.s32 $0xD180, s23  }
0xb3: {  	[tilespmem:s0], [sflag:$0x2] =	stream.linear.gather [hbm4b:s1+s22], $0x80, $0x38;
	[tilespmem:$0x19200] =	vst v63  }
0xb4: {  	v0 =	vld [tilespmem:s25+$0x0];
	_ =	sdelay $0x4  }
0xb5: {  	v0 =	vshll.u32 v0, $0x4  }
0xb6: {  	(v2sf) =	vpush v0, $0x0  }
0xb7: {  	(v2sf) =	vpush v0, $0x1  }
0xb8: {  	(v2sf) =	vpush v0, $0x2;
	_ =	sdelay $0x1  }
0xb9: {  	(v2sf) =	vpush v0, $0x4  }
.Ltmp1:
0xba: {  	(pc) =	sbr.rel @p0 .LBB2_4-.Ltmp1, $3  }
0xbb: {  	(v2sf) =	vpush v0, $0x3  }
0xbc: {  	(v2sf) =	vpush v0, $0x5;
	_ =	sdelay $0x1  }
0xbd: {  	s23 =	sshra.s32 s26, $0x2;
	(v2sf) =	vpush v0, $0x6  }
0xbe: {  	_ =	sdelay $0x1  }
0xbf: {  	s2 =	sadd.s32 $0xCA80, s23;
	s7 =	sadd.s32 $0xCF80, s23  }
0xc0: {  	s6 =	sadd.s32 $0xCD80, s23;
	s0 =	sadd.s32 $0xD000, s23;
	(v2sf) =	vpush v0, $0x7;
	s8 =	sadd.s32 $0xCC80, s23  }
0xc1: {  	s9 =	sadd.s32 $0xCE00, s23;
	s1 =	sadd.s32 $0xD080, s23;
	s12 =	sadd.s32 $0xCA00, s23  }
0xc2: {  	s13 =	sadd.s32 $0xCC00, s23;
	s16 =	sadd.s32 $0xCD00, s23;
	(v2sf) =	vpush v0, $0x8;
	s18 =	spop (v2sf)  }
0xc3: {  	s21 =	sadd.s32 $0xCB00, s23;
	s18 =	sand.u32 $0x1FFFFFF0, s18;
	s24 =	spop (v2sf)  }
0xc4: {  	(v2sf) =	vpush v0, $0x9;
	s18 =	sadd.s32 s4, s18;
	s24 =	sand.u32 $0x1FFFFFF0, s24;
	s25 =	spop (v2sf)  }
0xc5: {  	[tilespmem:s12], [sflag:$0x2] =	stream.linear.gather [hbm4b:s18+s22], $0x80, $0x38;
	[tilespmem:$0x19200] =	vst v63  }
0xc6: {  	s26 =	sadd.s32 $0xCB80, s23;
	(v2sf) =	vpush v0, $0xA;
	s10 =	sadd.s32 s4, s24;
	s11 =	spop (v2sf)  }
0xc7: {  	[tilespmem:s2], [sflag:$0x2] =	stream.linear.gather [hbm4b:s10+s22], $0x80, $0x38;
	[tilespmem:$0x19200] =	vst v63  }
0xc8: {  	s12 =	sadd.s32 $0xCF00, s23;
	s28 =	sand.u32 $0x1FFFFFF0, s25;
	(v2sf) =	vpush v0, $0xB;
	s29 =	spop (v2sf)  }
0xc9: {  	s18 =	sadd.s32 s4, s28;
	s2 =	sadd.s32 $0xCE80, s23;
	s25 =	sand.u32 $0x1FFFFFF0, s29  }
0xca: {  	(v2sf) =	vpush v0, $0xC;
	[tilespmem:s21], [sflag:$0x2] =	stream.linear.gather [hbm4b:s18+s22], $0x80, $0x38;
	[tilespmem:$0x19200] =	vst v63  }
0xcb: {  	s30 =	sand.u32 $0x1FFFFFF0, s11;
	s31 =	spop (v2sf);
	s10 =	sadd.s32 s4, s25  }
0xcc: {  	(v2sf) =	vpush v0, $0xD;
	[tilespmem:s26], [sflag:$0x2] =	stream.linear.gather [hbm4b:s10+s22], $0x80, $0x38;
	[tilespmem:$0x19200] =	vst v63  }
0xcd: {  	s18 =	sadd.s32 s4, s30;
	s21 =	sand.u32 $0x1FFFFFF0, s31;
	s11 =	spop (v2sf)  }
0xce: {  	(v2sf) =	vpush v0, $0xE;
	[tilespmem:s13], [sflag:$0x2] =	stream.linear.gather [hbm4b:s18+s22], $0x80, $0x38;
	[tilespmem:$0x19200] =	vst v63  }
0xcf: {  	s21 =	sadd.s32 s4, s21;
	s25 =	sand.u32 $0x1FFFFFF0, s11;
	s26 =	spop (v2sf)  }
0xd0: {  	(v2sf) =	vpush v0, $0xF;
	[tilespmem:s8], [sflag:$0x2] =	stream.linear.gather [hbm4b:s21+s22], $0x80, $0x38;
	[tilespmem:$0x19200] =	vst v63  }
0xd1: {  	s28 =	sand.u32 $0x1FFFFFF0, s26;
	s29 =	spop (v2sf);
	s13 =	sadd.s32 s4, s25  }
0xd2: {  	[tilespmem:s16], [sflag:$0x2] =	stream.linear.gather [hbm4b:s13+s22], $0x80, $0x38;
	[tilespmem:$0x19200] =	vst v63  }
0xd3: {  	s30 =	sand.u32 $0x1FFFFFF0, s29;
	s8 =	sadd.s32 s4, s28;
	s31 =	spop (v2sf)  }
0xd4: {  	[tilespmem:s6], [sflag:$0x2] =	stream.linear.gather [hbm4b:s8+s22], $0x80, $0x38;
	[tilespmem:$0x19200] =	vst v63  }
0xd5: {  	s13 =	sadd.s32 s4, s30;
	s10 =	sand.u32 $0x1FFFFFF0, s31;
	s11 =	spop (v2sf)  }
0xd6: {  	[tilespmem:s9], [sflag:$0x2] =	stream.linear.gather [hbm4b:s13+s22], $0x80, $0x38;
	[tilespmem:$0x19200] =	vst v63  }
0xd7: {  	s8 =	sand.u32 $0x1FFFFFF0, s11;
	s6 =	sadd.s32 s4, s10;
	s13 =	spop (v2sf)  }
0xd8: {  	[tilespmem:s2], [sflag:$0x2] =	stream.linear.gather [hbm4b:s6+s22], $0x80, $0x38;
	[tilespmem:$0x19200] =	vst v63  }
0xd9: {  	s8 =	sadd.s32 s4, s8;
	s16 =	sand.u32 $0x1FFFFFF0, s13;
	s18 =	spop (v2sf)  }
0xda: {  	[tilespmem:s12], [sflag:$0x2] =	stream.linear.gather [hbm4b:s8+s22], $0x80, $0x38;
	[tilespmem:$0x19200] =	vst v63  }
0xdb: {  	s2 =	sadd.s32 s4, s16;
	s6 =	sand.u32 $0x1FFFFFF0, s18;
	s21 =	spop (v2sf)  }
0xdc: {  	[tilespmem:s7], [sflag:$0x2] =	stream.linear.gather [hbm4b:s2+s22], $0x80, $0x38;
	[tilespmem:$0x19200] =	vst v63  }
0xdd: {  	s24 =	sand.u32 $0x1FFFFFF0, s21;
	s6 =	sadd.s32 s4, s6;
	s25 =	spop (v2sf)  }
0xde: {  	[tilespmem:s0], [sflag:$0x2] =	stream.linear.gather [hbm4b:s6+s22], $0x80, $0x38;
	[tilespmem:$0x19200] =	vst v63  }
0xdf: {  	s26 =	sand.u32 $0x1FFFFFF0, s25;
	s28 =	spop (v2sf);
	s2 =	sadd.s32 s4, s24  }
0xe0: {  	[tilespmem:s1], [sflag:$0x2] =	stream.linear.gather [hbm4b:s2+s22], $0x80, $0x38;
	[tilespmem:$0x19200] =	vst v63  }
0xe1: {  	s30 =	sadd.s32 $0xD100, s23;
	s29 =	sand.u32 $0x1FFFFFF0, s28;
	s0 =	sadd.s32 s4, s26  }
0xe2: {  	[tilespmem:s30], [sflag:$0x2] =	stream.linear.gather [hbm4b:s0+s22], $0x80, $0x38;
	[tilespmem:$0x19200] =	vst v63  }
0xe3: {  	s31 =	sadd.s32 $0xD180, s23;
	s1 =	sadd.s32 s4, s29  }
0xe4: {  	[tilespmem:s31], [sflag:$0x2] =	stream.linear.gather [hbm4b:s1+s22], $0x80, $0x38;
	[tilespmem:$0x19200] =	vst v63  }
.LBB2_6:
0xe5: {  	s23 =	smul.u32 $0x320, s22;
	_ =	swait.ge [sflag:s17], $0xC800  }
0xe6: {  	s0 =	rddreg [dreg:$0x6]  }
0xe7: {  	s0 =	sadd.s32 s23, s0  }
0xe8: {  	s26 =	simm.s32 $0x0;
	[sflag:s17] =	ssyncset.done $0x0;
	s0 =	sshll.u32 s0, $0x4  }
0xe9: {  	s1 =	simm.s32 $0xCA00;
	[sflag:s17] =	ssyncadd.s32 $0xFFFF3800;
	s0 =	sadd.s32 s5, s0  }
0xea: {  	[hbm4b:s0+s26] =	stream.linear.scatter [tilespmem:s1], [sflag:$0x4], $0xC800, $0x38;
	[tilespmem:$0x19200] =	vst v63  }
0xeb: {  	_ =	swait.ge [sflag:s19], $0xC800  }
0xec: {  	s30 =	rddreg [dreg:$0x7];
	[sflag:s19] =	ssyncset.done $0x0  }
0xed: {  	s24 =	sadd.s32 s23, s30;
	[sflag:s19] =	ssyncadd.s32 $0xFFFF3800  }
0xee: {  	s0 =	sshrl.u32 s24, $0x3;
	s31 =	rddreg [dreg:$0x1]  }
0xef: {  	s0 =	sadd.s32 s31, s0  }
0xf0: {  	[tilespmem:s26], [sflag:$0x5] =	stream.linear.gather [hbm4b:s0+s26], $0x190, $0x38;
	[tilespmem:$0x19200] =	vst v63  }
0xf1: {  	_ =	swait.ge [sflag:s14], $0x190  }
0xf2: {  	[sflag:s14] =	ssyncset.done $0x0  }
0xf3: {  	[sflag:s14] =	ssyncadd.s32 $0xFFFFFE70  }
0xf4: {  	v0 =	vld [tilespmem:s26+$0x0];
	_ =	sdelay $0x4  }
0xf5: {  	v0 =	vshll.u32 v0, $0x4  }
0xf6: {  	(v2sf) =	vpush v0, $0x0  }
0xf7: {  	(v2sf) =	vpush v0, $0x1  }
0xf8: {  	(v2sf) =	vpush v0, $0x2;
	_ =	sdelay $0x1  }
0xf9: {  	(v2sf) =	vpush v0, $0x4;
	_ =	sdelay $0x1  }
0xfa: {  	(v2sf) =	vpush v0, $0x3  }
0xfb: {  	(v2sf) =	vpush v0, $0x5  }
0xfc: {  	s28 =	simm.s32 $0x2000;
	s25 =	simm.s32 $0x0;
	(v2sf) =	vpush v0, $0x6  }
.LBB2_7:
0xfd: {  	p0 =	sne.s32 s28, $0x30000  }
0xfe: {  	s2 =	sadd.s32 $0x280, s25;
	s1 =	sadd.s32 $0x780, s25;
	s29 =	smov.u32 s28  }
0xff: {  	s28 =	sadd.s32 $0x2000, s28;
	s8 =	sadd.s32 $0x580, s25;
	s30 =	sadd.s32 $0x800, s25;
	(v2sf) =	vpush v0, $0x7  }
0x100: {  	s13 =	sadd.s32 $0x480, s25;
	s7 =	sadd.s32 $0x600, s25;
	s31 =	sadd.s32 $0x880, s25  }
0x101: {  	s6 =	sadd.s32 $0x200, s25;
	s9 =	sadd.s32 $0x400, s25;
	(v2sf) =	vpush v0, $0x8  }
0x102: {  	s16 =	sadd.s32 $0x500, s25;
	s26 =	sadd.s32 $0x10, s26  }
0x103: {  	s18 =	sadd.s32 $0x300, s25;
	s0 =	sadd.s32 $0x700, s25;
	s12 =	spop (v2sf);
	(v2sf) =	vpush v0, $0x9  }
0x104: {  	s21 =	sand.u32 $0x1FFFFFF0, s12;
	s12 =	sadd.s32 $0x680, s25;
	s10 =	spop (v2sf)  }
0x105: {  	s21 =	sadd.s32 s4, s21;
	s10 =	sand.u32 $0x1FFFFFF0, s10;
	s11 =	spop (v2sf);
	(v2sf) =	vpush v0, $0xA  }
0x106: {  	[tilespmem:s6], [sflag:$0x1] =	stream.linear.gather [hbm4b:s21+s3], $0x80, $0x38;
	[tilespmem:$0x19200] =	vst v63  }
0x107: {  	s6 =	sadd.s32 s4, s10;
	s10 =	sadd.s32 $0x380, s25;
	s21 =	spop (v2sf);
	(v2sf) =	vpush v0, $0xB  }
0x108: {  	[tilespmem:s2], [sflag:$0x1] =	stream.linear.gather [hbm4b:s6+s3], $0x80, $0x38;
	[tilespmem:$0x19200] =	vst v63  }
0x109: {  	s2 =	sand.u32 $0x1FFFFFF0, s11;
	s6 =	sand.u32 $0x1FFFFFF0, s21;
	s11 =	spop (v2sf);
	(v2sf) =	vpush v0, $0xC  }
0x10a: {  	s2 =	sadd.s32 s4, s2;
	s11 =	sand.u32 $0x1FFFFFF0, s11;
	s21 =	spop (v2sf)  }
0x10b: {  	[tilespmem:s18], [sflag:$0x1] =	stream.linear.gather [hbm4b:s2+s3], $0x80, $0x38;
	(v2sf) =	vpush v0, $0xD;
	[tilespmem:$0x19200] =	vst v63  }
0x10c: {  	s2 =	sadd.s32 s4, s11;
	s11 =	sand.u32 $0x1FFFFFF0, s21;
	s18 =	spop (v2sf)  }
0x10d: {  	[tilespmem:s10], [sflag:$0x1] =	stream.linear.gather [hbm4b:s2+s3], $0x80, $0x38;
	(v2sf) =	vpush v0, $0xE;
	[tilespmem:$0x19200] =	vst v63  }
0x10e: {  	s2 =	sadd.s32 s4, s6;
	s6 =	sand.u32 $0x1FFFFFF0, s18;
	s10 =	spop (v2sf)  }
0x10f: {  	[tilespmem:s9], [sflag:$0x1] =	stream.linear.gather [hbm4b:s2+s3], $0x80, $0x38;
	(v2sf) =	vpush v0, $0xF;
	[tilespmem:$0x19200] =	vst v63  }
0x110: {  	s2 =	sadd.s32 s4, s11;
	s9 =	sand.u32 $0x1FFFFFF0, s10;
	s10 =	spop (v2sf)  }
0x111: {  	[tilespmem:s13], [sflag:$0x1] =	stream.linear.gather [hbm4b:s2+s3], $0x80, $0x38;
	[tilespmem:$0x19200] =	vst v63  }
0x112: {  	s2 =	sadd.s32 s4, s6;
	s6 =	sand.u32 $0x1FFFFFF0, s10;
	s10 =	spop (v2sf)  }
0x113: {  	[tilespmem:s16], [sflag:$0x1] =	stream.linear.gather [hbm4b:s2+s3], $0x80, $0x38;
	[tilespmem:$0x19200] =	vst v63  }
0x114: {  	s2 =	sadd.s32 s4, s9;
	s9 =	sand.u32 $0x1FFFFFF0, s10;
	s10 =	spop (v2sf)  }
0x115: {  	[tilespmem:s8], [sflag:$0x1] =	stream.linear.gather [hbm4b:s2+s3], $0x80, $0x38;
	[tilespmem:$0x19200] =	vst v63  }
0x116: {  	s2 =	sadd.s32 s4, s6;
	s6 =	sand.u32 $0x1FFFFFF0, s10;
	s8 =	spop (v2sf)  }
0x117: {  	[tilespmem:s7], [sflag:$0x1] =	stream.linear.gather [hbm4b:s2+s3], $0x80, $0x38;
	[tilespmem:$0x19200] =	vst v63  }
0x118: {  	s2 =	sadd.s32 s4, s9;
	s7 =	sand.u32 $0x1FFFFFF0, s8;
	s8 =	spop (v2sf)  }
0x119: {  	[tilespmem:s12], [sflag:$0x1] =	stream.linear.gather [hbm4b:s2+s3], $0x80, $0x38;
	[tilespmem:$0x19200] =	vst v63  }
0x11a: {  	s2 =	sadd.s32 s4, s6;
	s6 =	sand.u32 $0x1FFFFFF0, s8;
	s8 =	spop (v2sf)  }
0x11b: {  	[tilespmem:s0], [sflag:$0x1] =	stream.linear.gather [hbm4b:s2+s3], $0x80, $0x38;
	[tilespmem:$0x19200] =	vst v63  }
0x11c: {  	s0 =	sadd.s32 s4, s7;
	s2 =	sand.u32 $0x1FFFFFF0, s8;
	s7 =	spop (v2sf)  }
0x11d: {  	[tilespmem:s1], [sflag:$0x1] =	stream.linear.gather [hbm4b:s0+s3], $0x80, $0x38;
	[tilespmem:$0x19200] =	vst v63  }
0x11e: {  	s0 =	sadd.s32 s4, s6;
	s1 =	sand.u32 $0x1FFFFFF0, s7;
	s6 =	spop (v2sf)  }
0x11f: {  	[tilespmem:s30], [sflag:$0x1] =	stream.linear.gather [hbm4b:s0+s3], $0x80, $0x38;
	[tilespmem:$0x19200] =	vst v63  }
0x120: {  	s0 =	sadd.s32 s4, s2;
	s2 =	sand.u32 $0x1FFFFFF0, s6  }
0x121: {  	[tilespmem:s31], [sflag:$0x1] =	stream.linear.gather [hbm4b:s0+s3], $0x80, $0x38;
	[tilespmem:$0x19200] =	vst v63  }
0x122: {  	s1 =	sadd.s32 s4, s1;
	s0 =	sadd.s32 $0x900, s25  }
0x123: {  	[tilespmem:s0], [sflag:$0x1] =	stream.linear.gather [hbm4b:s1+s3], $0x80, $0x38;
	[tilespmem:$0x19200] =	vst v63  }
0x124: {  	s0 =	sadd.s32 $0x980, s25;
	s1 =	sadd.s32 s4, s2  }
0x125: {  	[tilespmem:s0], [sflag:$0x1] =	stream.linear.gather [hbm4b:s1+s3], $0x80, $0x38;
	[tilespmem:$0x19200] =	vst v63  }
0x126: {  	v0 =	vld [tilespmem:s26+$0x0];
	_ =	sdelay $0x4  }
0x127: {  	v0 =	vshll.u32 v0, $0x4  }
0x128: {  	(v2sf) =	vpush v0, $0x0  }
0x129: {  	(v2sf) =	vpush v0, $0x1  }
0x12a: {  	(v2sf) =	vpush v0, $0x2;
	_ =	sdelay $0x1  }
0x12b: {  	(v2sf) =	vpush v0, $0x4  }
.Ltmp2:
0x12c: {  	(pc) =	sbr.rel @p0 .LBB2_7-.Ltmp2, $3  }
0x12d: {  	(v2sf) =	vpush v0, $0x3  }
0x12e: {  	(v2sf) =	vpush v0, $0x5;
	_ =	sdelay $0x1  }
0x12f: {  	s25 =	sshra.s32 s29, $0x2;
	(v2sf) =	vpush v0, $0x6  }
0x130: {  	_ =	sdelay $0x4  }
0x131: {  	s0 =	spop (v2sf)  }
0x132: {  	s0 =	sand.u32 $0x1FFFFFF0, s0  }
0x133: {  	s2 =	sadd.s32 $0x200, s25;
	(v2sf) =	vpush v0, $0x7;
	s1 =	spop (v2sf);
	s0 =	sadd.s32 s4, s0  }
0x134: {  	[tilespmem:s2], [sflag:$0x1] =	stream.linear.gather [hbm4b:s0+s3], $0x80, $0x38;
	[tilespmem:$0x19200] =	vst v63  }
0x135: {  	s1 =	sand.u32 $0x1FFFFFF0, s1;
	s6 =	spop (v2sf);
	s2 =	sadd.s32 $0x280, s25  }
0x136: {  	s1 =	sadd.s32 s4, s1;
	s7 =	sand.u32 $0x1FFFFFF0, s6;
	s9 =	spop (v2sf)  }
0x137: {  	[tilespmem:s2], [sflag:$0x1] =	stream.linear.gather [hbm4b:s1+s3], $0x80, $0x38;
	[tilespmem:$0x19200] =	vst v63  }
0x138: {  	s8 =	sadd.s32 $0x300, s25;
	s0 =	sadd.s32 s4, s7;
	s10 =	spop (v2sf);
	(v2sf) =	vpush v0, $0x8  }
0x139: {  	[tilespmem:s8], [sflag:$0x1] =	stream.linear.gather [hbm4b:s0+s3], $0x80, $0x38;
	[tilespmem:$0x19200] =	vst v63  }
0x13a: {  	s0 =	sand.u32 $0x1FFFFFF0, s10;
	(v2sf) =	vpush v0, $0x9  }
0x13b: {  	s11 =	sadd.s32 $0x380, s25;
	s12 =	sand.u32 $0x1FFFFFF0, s9;
	s0 =	sadd.s32 s4, s0  }
0x13c: {  	(v2sf) =	vpush v0, $0xA;
	[tilespmem:s11], [sflag:$0x1] =	stream.linear.gather [hbm4b:s0+s3], $0x80, $0x38;
	[tilespmem:$0x19200] =	vst v63  }
0x13d: {  	s13 =	sadd.s32 $0x400, s25;
	s16 =	spop (v2sf);
	s0 =	sadd.s32 s4, s12  }
0x13e: {  	[tilespmem:s13], [sflag:$0x1] =	stream.linear.gather [hbm4b:s0+s3], $0x80, $0x38;
	[tilespmem:$0x19200] =	vst v63  }
0x13f: {  	s0 =	sand.u32 $0x1FFFFFF0, s16  }
0x140: {  	s18 =	sadd.s32 $0x480, s25;
	s21 =	spop (v2sf);
	s0 =	sadd.s32 s4, s0  }
0x141: {  	[tilespmem:s18], [sflag:$0x1] =	stream.linear.gather [hbm4b:s0+s3], $0x80, $0x38;
	[tilespmem:$0x19200] =	vst v63  }
0x142: {  	s28 =	spop (v2sf);
	(v2sf) =	vpush v0, $0xB  }
0x143: {  	s0 =	sand.u32 $0x1FFFFFF0, s21  }
0x144: {  	s26 =	sadd.s32 $0x500, s25;
	s0 =	sadd.s32 s4, s0  }
0x145: {  	[tilespmem:s26], [sflag:$0x1] =	stream.linear.gather [hbm4b:s0+s3], $0x80, $0x38;
	[tilespmem:$0x19200] =	vst v63  }
0x146: {  	s0 =	sand.u32 $0x1FFFFFF0, s28  }
0x147: {  	s29 =	sadd.s32 $0x580, s25;
	s0 =	sadd.s32 s4, s0;
	s30 =	spop (v2sf);
	(v2sf) =	vpush v0, $0xC  }
0x148: {  	[tilespmem:s29], [sflag:$0x1] =	stream.linear.gather [hbm4b:s0+s3], $0x80, $0x38;
	[tilespmem:$0x19200] =	vst v63  }
0x149: {  	s1 =	spop (v2sf);
	(v2sf) =	vpush v0, $0xD  }
0x14a: {  	s0 =	sand.u32 $0x1FFFFFF0, s30  }
0x14b: {  	s31 =	sadd.s32 $0x600, s25;
	s0 =	sadd.s32 s4, s0;
	s6 =	spop (v2sf)  }
0x14c: {  	(v2sf) =	vpush v0, $0xE;
	[tilespmem:s31], [sflag:$0x1] =	stream.linear.gather [hbm4b:s0+s3], $0x80, $0x38;
	[tilespmem:$0x19200] =	vst v63  }
0x14d: {  	s0 =	sand.u32 $0x1FFFFFF0, s1  }
0x14e: {  	s2 =	sadd.s32 $0x680, s25;
	s0 =	sadd.s32 s4, s0  }
0x14f: {  	[tilespmem:s2], [sflag:$0x1] =	stream.linear.gather [hbm4b:s0+s3], $0x80, $0x38;
	[tilespmem:$0x19200] =	vst v63  }
0x150: {  	s0 =	sand.u32 $0x1FFFFFF0, s6  }
0x151: {  	s7 =	sadd.s32 $0x700, s25;
	s0 =	sadd.s32 s4, s0;
	s8 =	spop (v2sf);
	(v2sf) =	vpush v0, $0xF  }
0x152: {  	[tilespmem:s7], [sflag:$0x1] =	stream.linear.gather [hbm4b:s0+s3], $0x80, $0x38;
	[tilespmem:$0x19200] =	vst v63  }
0x153: {  	s0 =	sand.u32 $0x1FFFFFF0, s8  }
0x154: {  	s9 =	sadd.s32 $0x780, s25;
	s0 =	sadd.s32 s4, s0  }
0x155: {  	[tilespmem:s9], [sflag:$0x1] =	stream.linear.gather [hbm4b:s0+s3], $0x80, $0x38;
	[tilespmem:$0x19200] =	vst v63  }
0x156: {  	s10 =	spop (v2sf)  }
0x157: {  	s0 =	sand.u32 $0x1FFFFFF0, s10  }
0x158: {  	s11 =	sadd.s32 $0x800, s25;
	s12 =	spop (v2sf);
	s0 =	sadd.s32 s4, s0  }
0x159: {  	[tilespmem:s11], [sflag:$0x1] =	stream.linear.gather [hbm4b:s0+s3], $0x80, $0x38;
	[tilespmem:$0x19200] =	vst v63  }
0x15a: {  	s0 =	sand.u32 $0x1FFFFFF0, s12  }
0x15b: {  	s13 =	sadd.s32 $0x880, s25;
	s16 =	spop (v2sf);
	s0 =	sadd.s32 s4, s0  }
0x15c: {  	[tilespmem:s13], [sflag:$0x1] =	stream.linear.gather [hbm4b:s0+s3], $0x80, $0x38;
	[tilespmem:$0x19200] =	vst v63  }
0x15d: {  	s0 =	sand.u32 $0x1FFFFFF0, s16  }
0x15e: {  	s18 =	sadd.s32 $0x900, s25;
	s0 =	sadd.s32 s4, s0  }
0x15f: {  	[tilespmem:s18], [sflag:$0x1] =	stream.linear.gather [hbm4b:s0+s3], $0x80, $0x38;
	[tilespmem:$0x19200] =	vst v63  }
0x160: {  	s21 =	spop (v2sf)  }
0x161: {  	s0 =	sand.u32 $0x1FFFFFF0, s21  }
0x162: {  	s26 =	sadd.s32 $0x980, s25;
	s0 =	sadd.s32 s4, s0  }
0x163: {  	[tilespmem:s26], [sflag:$0x1] =	stream.linear.gather [hbm4b:s0+s3], $0x80, $0x38;
	[tilespmem:$0x19200] =	vst v63  }
0x164: {  	_ =	swait.ge [sflag:s15], $0xC800  }
0x165: {  	s28 =	sshll.u32 s24, $0x4;
	s24 =	simm.s32 $0x0;
	[sflag:s15] =	ssyncset.done $0x0  }
0x166: {  	s29 =	simm.s32 $0x200;
	s0 =	sadd.s32 s5, s28;
	[sflag:s15] =	ssyncadd.s32 $0xFFFF3800  }
0x167: {  	[hbm4b:s0+s24] =	stream.linear.scatter [tilespmem:s29], [sflag:$0x3], $0xC800, $0x38;
	[tilespmem:$0x19200] =	vst v63  }
0x168: {  	_ =	swait.ge [sflag:s20], $0xC800  }
0x169: {  	s30 =	rddreg [dreg:$0x8];
	[sflag:s20] =	ssyncset.done $0x0  }
0x16a: {  	s0 =	sadd.s32 s23, s30;
	[sflag:s20] =	ssyncadd.s32 $0xFFFF3800  }
0x16b: {  	s0 =	sshrl.u32 s0, $0x3;
	s31 =	rddreg [dreg:$0x1]  }
0x16c: {  	s0 =	sadd.s32 s31, s0  }
0x16d: {  	[tilespmem:s24], [sflag:$0x5] =	stream.linear.gather [hbm4b:s0+s24], $0x190, $0x38;
	[tilespmem:$0x19200] =	vst v63  }
0x16e: {  	_ =	swait.ge [sflag:s14], $0x190  }
0x16f: {  	[sflag:s14] =	ssyncset.done $0x0  }
0x170: {  	[sflag:s14] =	ssyncadd.s32 $0xFFFFFE70  }
0x171: {  	v0 =	vld [tilespmem:s24+$0x0];
	_ =	sdelay $0x4  }
0x172: {  	v0 =	vshll.u32 v0, $0x4  }
0x173: {  	(v2sf) =	vpush v0, $0x0  }
0x174: {  	(v2sf) =	vpush v0, $0x1  }
0x175: {  	(v2sf) =	vpush v0, $0x2;
	_ =	sdelay $0x1  }
0x176: {  	(v2sf) =	vpush v0, $0x4;
	_ =	sdelay $0x1  }
0x177: {  	(v2sf) =	vpush v0, $0x3  }
0x178: {  	(v2sf) =	vpush v0, $0x5  }
0x179: {  	s25 =	simm.s32 $0x2000;
	s23 =	simm.s32 $0x0;
	(v2sf) =	vpush v0, $0x6  }
.LBB2_9:
0x17a: {  	p0 =	sne.s32 s25, $0x30000  }
0x17b: {  	s2 =	sadd.s32 $0xCA80, s23;
	s1 =	sadd.s32 $0xCF80, s23;
	s26 =	smov.u32 s25  }
0x17c: {  	s25 =	sadd.s32 $0x2000, s25;
	s8 =	sadd.s32 $0xCD80, s23;
	s28 =	sadd.s32 $0xD000, s23;
	(v2sf) =	vpush v0, $0x7  }
0x17d: {  	s13 =	sadd.s32 $0xCC80, s23;
	s7 =	sadd.s32 $0xCE00, s23;
	s29 =	sadd.s32 $0xD080, s23  }
0x17e: {  	s6 =	sadd.s32 $0xCA00, s23;
	s9 =	sadd.s32 $0xCC00, s23;
	(v2sf) =	vpush v0, $0x8  }
0x17f: {  	s10 =	sadd.s32 $0xCD00, s23;
	s24 =	sadd.s32 $0x10, s24  }
0x180: {  	s11 =	sadd.s32 $0xCB00, s23;
	s0 =	sadd.s32 $0xCF00, s23;
	s12 =	spop (v2sf);
	(v2sf) =	vpush v0, $0x9  }
0x181: {  	s16 =	sand.u32 $0x1FFFFFF0, s12;
	s12 =	sadd.s32 $0xCE80, s23;
	s18 =	spop (v2sf)  }
0x182: {  	s16 =	sadd.s32 s4, s16;
	s18 =	sand.u32 $0x1FFFFFF0, s18;
	s21 =	spop (v2sf);
	(v2sf) =	vpush v0, $0xA  }
0x183: {  	[tilespmem:s6], [sflag:$0x2] =	stream.linear.gather [hbm4b:s16+s3], $0x80, $0x38;
	[tilespmem:$0x19200] =	vst v63  }
0x184: {  	s6 =	sadd.s32 s4, s18;
	s16 =	sadd.s32 $0xCB80, s23;
	s18 =	spop (v2sf);
	(v2sf) =	vpush v0, $0xB  }
0x185: {  	[tilespmem:s2], [sflag:$0x2] =	stream.linear.gather [hbm4b:s6+s3], $0x80, $0x38;
	[tilespmem:$0x19200] =	vst v63  }
0x186: {  	s2 =	sand.u32 $0x1FFFFFF0, s21;
	s6 =	sand.u32 $0x1FFFFFF0, s18;
	s18 =	spop (v2sf);
	(v2sf) =	vpush v0, $0xC  }
0x187: {  	s2 =	sadd.s32 s4, s2;
	s18 =	sand.u32 $0x1FFFFFF0, s18;
	s21 =	spop (v2sf)  }
0x188: {  	[tilespmem:s11], [sflag:$0x2] =	stream.linear.gather [hbm4b:s2+s3], $0x80, $0x38;
	(v2sf) =	vpush v0, $0xD;
	[tilespmem:$0x19200] =	vst v63  }
0x189: {  	s2 =	sadd.s32 s4, s18;
	s11 =	sand.u32 $0x1FFFFFF0, s21;
	s18 =	spop (v2sf)  }
0x18a: {  	[tilespmem:s16], [sflag:$0x2] =	stream.linear.gather [hbm4b:s2+s3], $0x80, $0x38;
	(v2sf) =	vpush v0, $0xE;
	[tilespmem:$0x19200] =	vst v63  }
0x18b: {  	s2 =	sadd.s32 s4, s6;
	s6 =	sand.u32 $0x1FFFFFF0, s18;
	s16 =	spop (v2sf)  }
0x18c: {  	[tilespmem:s9], [sflag:$0x2] =	stream.linear.gather [hbm4b:s2+s3], $0x80, $0x38;
	(v2sf) =	vpush v0, $0xF;
	[tilespmem:$0x19200] =	vst v63  }
0x18d: {  	s2 =	sadd.s32 s4, s11;
	s9 =	sand.u32 $0x1FFFFFF0, s16;
	s11 =	spop (v2sf)  }
0x18e: {  	[tilespmem:s13], [sflag:$0x2] =	stream.linear.gather [hbm4b:s2+s3], $0x80, $0x38;
	[tilespmem:$0x19200] =	vst v63  }
0x18f: {  	s2 =	sadd.s32 s4, s6;
	s6 =	sand.u32 $0x1FFFFFF0, s11;
	s11 =	spop (v2sf)  }
0x190: {  	[tilespmem:s10], [sflag:$0x2] =	stream.linear.gather [hbm4b:s2+s3], $0x80, $0x38;
	[tilespmem:$0x19200] =	vst v63  }
0x191: {  	s2 =	sadd.s32 s4, s9;
	s9 =	sand.u32 $0x1FFFFFF0, s11;
	s10 =	spop (v2sf)  }
0x192: {  	[tilespmem:s8], [sflag:$0x2] =	stream.linear.gather [hbm4b:s2+s3], $0x80, $0x38;
	[tilespmem:$0x19200] =	vst v63  }
0x193: {  	s2 =	sadd.s32 s4, s6;
	s6 =	sand.u32 $0x1FFFFFF0, s10;
	s8 =	spop (v2sf)  }
0x194: {  	[tilespmem:s7], [sflag:$0x2] =	stream.linear.gather [hbm4b:s2+s3], $0x80, $0x38;
	[tilespmem:$0x19200] =	vst v63  }
0x195: {  	s2 =	sadd.s32 s4, s9;
	s7 =	sand.u32 $0x1FFFFFF0, s8;
	s8 =	spop (v2sf)  }
0x196: {  	[tilespmem:s12], [sflag:$0x2] =	stream.linear.gather [hbm4b:s2+s3], $0x80, $0x38;
	[tilespmem:$0x19200] =	vst v63  }
0x197: {  	s2 =	sadd.s32 s4, s6;
	s6 =	sand.u32 $0x1FFFFFF0, s8;
	s8 =	spop (v2sf)  }
0x198: {  	[tilespmem:s0], [sflag:$0x2] =	stream.linear.gather [hbm4b:s2+s3], $0x80, $0x38;
	[tilespmem:$0x19200] =	vst v63  }
0x199: {  	s0 =	sadd.s32 s4, s7;
	s2 =	sand.u32 $0x1FFFFFF0, s8;
	s7 =	spop (v2sf)  }
0x19a: {  	[tilespmem:s1], [sflag:$0x2] =	stream.linear.gather [hbm4b:s0+s3], $0x80, $0x38;
	[tilespmem:$0x19200] =	vst v63  }
0x19b: {  	s0 =	sadd.s32 s4, s6;
	s1 =	sand.u32 $0x1FFFFFF0, s7;
	s6 =	spop (v2sf)  }
0x19c: {  	[tilespmem:s28], [sflag:$0x2] =	stream.linear.gather [hbm4b:s0+s3], $0x80, $0x38;
	[tilespmem:$0x19200] =	vst v63  }
0x19d: {  	s0 =	sadd.s32 s4, s2;
	s2 =	sand.u32 $0x1FFFFFF0, s6  }
0x19e: {  	[tilespmem:s29], [sflag:$0x2] =	stream.linear.gather [hbm4b:s0+s3], $0x80, $0x38;
	[tilespmem:$0x19200] =	vst v63  }
0x19f: {  	s1 =	sadd.s32 s4, s1;
	s0 =	sadd.s32 $0xD100, s23  }
0x1a0: {  	[tilespmem:s0], [sflag:$0x2] =	stream.linear.gather [hbm4b:s1+s3], $0x80, $0x38;
	[tilespmem:$0x19200] =	vst v63  }
0x1a1: {  	s0 =	sadd.s32 $0xD180, s23;
	s1 =	sadd.s32 s4, s2  }
0x1a2: {  	[tilespmem:s0], [sflag:$0x2] =	stream.linear.gather [hbm4b:s1+s3], $0x80, $0x38;
	[tilespmem:$0x19200] =	vst v63  }
0x1a3: {  	v0 =	vld [tilespmem:s24+$0x0];
	_ =	sdelay $0x4  }
0x1a4: {  	v0 =	vshll.u32 v0, $0x4  }
0x1a5: {  	(v2sf) =	vpush v0, $0x0  }
0x1a6: {  	(v2sf) =	vpush v0, $0x1  }
0x1a7: {  	(v2sf) =	vpush v0, $0x2;
	_ =	sdelay $0x1  }
0x1a8: {  	(v2sf) =	vpush v0, $0x4  }
.Ltmp3:
0x1a9: {  	(pc) =	sbr.rel @p0 .LBB2_9-.Ltmp3, $3  }
0x1aa: {  	(v2sf) =	vpush v0, $0x3  }
0x1ab: {  	(v2sf) =	vpush v0, $0x5;
	_ =	sdelay $0x1  }
0x1ac: {  	s23 =	sshra.s32 s26, $0x2;
	(v2sf) =	vpush v0, $0x6  }
0x1ad: {  	_ =	sdelay $0x1  }
0x1ae: {  	s2 =	sadd.s32 $0xCA80, s23;
	s7 =	sadd.s32 $0xCF80, s23  }
0x1af: {  	s6 =	sadd.s32 $0xCD80, s23;
	s0 =	sadd.s32 $0xD000, s23;
	(v2sf) =	vpush v0, $0x7;
	s8 =	sadd.s32 $0xCC80, s23  }
0x1b0: {  	s9 =	sadd.s32 $0xCE00, s23;
	s1 =	sadd.s32 $0xD080, s23;
	s10 =	sadd.s32 $0xCA00, s23  }
0x1b1: {  	s11 =	sadd.s32 $0xCC00, s23;
	s12 =	sadd.s32 $0xCD00, s23;
	(v2sf) =	vpush v0, $0x8;
	s13 =	spop (v2sf)  }
0x1b2: {  	s16 =	sadd.s32 $0xCB00, s23;
	s13 =	sand.u32 $0x1FFFFFF0, s13;
	s18 =	spop (v2sf)  }
0x1b3: {  	(v2sf) =	vpush v0, $0x9;
	s13 =	sadd.s32 s4, s13;
	s18 =	sand.u32 $0x1FFFFFF0, s18;
	s21 =	spop (v2sf)  }
0x1b4: {  	[tilespmem:s10], [sflag:$0x2] =	stream.linear.gather [hbm4b:s13+s3], $0x80, $0x38;
	[tilespmem:$0x19200] =	vst v63  }
0x1b5: {  	(v2sf) =	vpush v0, $0xA;
	s24 =	sadd.s32 s4, s18;
	s26 =	sand.u32 $0x1FFFFFF0, s21;
	s25 =	spop (v2sf)  }
0x1b6: {  	[tilespmem:s2], [sflag:$0x2] =	stream.linear.gather [hbm4b:s24+s3], $0x80, $0x38;
	[tilespmem:$0x19200] =	vst v63  }
0x1b7: {  	s10 =	sadd.s32 $0xCF00, s23;
	(v2sf) =	vpush v0, $0xB;
	s13 =	sadd.s32 s4, s26;
	s28 =	spop (v2sf)  }
0x1b8: {  	s2 =	sadd.s32 $0xCE80, s23;
	s24 =	sadd.s32 $0xCB80, s23;
	s21 =	sand.u32 $0x1FFFFFF0, s28  }
0x1b9: {  	(v2sf) =	vpush v0, $0xC;
	[tilespmem:s16], [sflag:$0x2] =	stream.linear.gather [hbm4b:s13+s3], $0x80, $0x38;
	[tilespmem:$0x19200] =	vst v63  }
0x1ba: {  	s29 =	sand.u32 $0x1FFFFFF0, s25;
	s30 =	spop (v2sf);
	s31 =	sadd.s32 s4, s21  }
0x1bb: {  	(v2sf) =	vpush v0, $0xD;
	[tilespmem:s24], [sflag:$0x2] =	stream.linear.gather [hbm4b:s31+s3], $0x80, $0x38;
	[tilespmem:$0x19200] =	vst v63  }
0x1bc: {  	s13 =	sadd.s32 s4, s29;
	s16 =	sand.u32 $0x1FFFFFF0, s30;
	s21 =	spop (v2sf)  }
0x1bd: {  	[tilespmem:s11], [sflag:$0x2] =	stream.linear.gather [hbm4b:s13+s3], $0x80, $0x38;
	[tilespmem:$0x19200] =	vst v63  }
0x1be: {  	s16 =	sadd.s32 s4, s16;
	s24 =	sand.u32 $0x1FFFFFF0, s21;
	s25 =	spop (v2sf)  }
0x1bf: {  	(v2sf) =	vpush v0, $0xE;
	[tilespmem:s8], [sflag:$0x2] =	stream.linear.gather [hbm4b:s16+s3], $0x80, $0x38;
	[tilespmem:$0x19200] =	vst v63  }
0x1c0: {  	s26 =	sand.u32 $0x1FFFFFF0, s25;
	s28 =	spop (v2sf);
	s11 =	sadd.s32 s4, s24  }
0x1c1: {  	(v2sf) =	vpush v0, $0xF;
	[tilespmem:s12], [sflag:$0x2] =	stream.linear.gather [hbm4b:s11+s3], $0x80, $0x38;
	[tilespmem:$0x19200] =	vst v63  }
0x1c2: {  	s29 =	sand.u32 $0x1FFFFFF0, s28;
	s8 =	sadd.s32 s4, s26;
	s30 =	spop (v2sf)  }
0x1c3: {  	[tilespmem:s6], [sflag:$0x2] =	stream.linear.gather [hbm4b:s8+s3], $0x80, $0x38;
	[tilespmem:$0x19200] =	vst v63  }
0x1c4: {  	s11 =	sadd.s32 s4, s29;
	s31 =	sand.u32 $0x1FFFFFF0, s30;
	s12 =	spop (v2sf)  }
0x1c5: {  	[tilespmem:s9], [sflag:$0x2] =	stream.linear.gather [hbm4b:s11+s3], $0x80, $0x38;
	[tilespmem:$0x19200] =	vst v63  }
0x1c6: {  	s8 =	sand.u32 $0x1FFFFFF0, s12;
	s6 =	sadd.s32 s4, s31;
	s13 =	spop (v2sf)  }
0x1c7: {  	[tilespmem:s2], [sflag:$0x2] =	stream.linear.gather [hbm4b:s6+s3], $0x80, $0x38;
	[tilespmem:$0x19200] =	vst v63  }
0x1c8: {  	s8 =	sadd.s32 s4, s8;
	s16 =	sand.u32 $0x1FFFFFF0, s13;
	s18 =	spop (v2sf)  }
0x1c9: {  	[tilespmem:s10], [sflag:$0x2] =	stream.linear.gather [hbm4b:s8+s3], $0x80, $0x38;
	[tilespmem:$0x19200] =	vst v63  }
0x1ca: {  	s2 =	sadd.s32 s4, s16;
	s6 =	sand.u32 $0x1FFFFFF0, s18;
	s21 =	spop (v2sf)  }
0x1cb: {  	[tilespmem:s7], [sflag:$0x2] =	stream.linear.gather [hbm4b:s2+s3], $0x80, $0x38;
	[tilespmem:$0x19200] =	vst v63  }
0x1cc: {  	s22 =	sadd.s32 $0x1, s22;
	s24 =	sand.u32 $0x1FFFFFF0, s21;
	s6 =	sadd.s32 s4, s6  }
0x1cd: {  	[tilespmem:s0], [sflag:$0x2] =	stream.linear.gather [hbm4b:s6+s3], $0x80, $0x38;
	[tilespmem:$0x19200] =	vst v63  }
0x1ce: {  	p0 =	sne.s32 s22, $0x1F;
	s25 =	spop (v2sf);
	s2 =	sadd.s32 s4, s24  }
0x1cf: {  	[tilespmem:s1], [sflag:$0x2] =	stream.linear.gather [hbm4b:s2+s3], $0x80, $0x38;
	[tilespmem:$0x19200] =	vst v63  }
.Ltmp4:
0x1d0: {  	s26 =	sand.u32 $0x1FFFFFF0, s25;
	s28 =	spop (v2sf);
	(pc) =	sbr.rel @p0 .LBB2_6-.Ltmp4, $4  }
0x1d1: {  	s30 =	sadd.s32 $0xD100, s23;
	s29 =	sand.u32 $0x1FFFFFF0, s28;
	s0 =	sadd.s32 s4, s26  }
0x1d2: {  	[tilespmem:s30], [sflag:$0x2] =	stream.linear.gather [hbm4b:s0+s3], $0x80, $0x38;
	[tilespmem:$0x19200] =	vst v63  }
0x1d3: {  	s31 =	sadd.s32 $0xD180, s23;
	s1 =	sadd.s32 s4, s29  }
0x1d4: {  	[tilespmem:s31], [sflag:$0x2] =	stream.linear.gather [hbm4b:s1+s3], $0x80, $0x38;
	[tilespmem:$0x19200] =	vst v63  }
0x1d5: {  	_ =	swait.ge [sflag:s17], $0xC800  }
0x1d6: {  	[sflag:s17] =	ssyncset.done $0x0  }
0x1d7: {  	s1 =	simm.s32 $0xCA00;
	s0 =	rddreg [dreg:$0x9];
	[sflag:s17] =	ssyncadd.s32 $0xFFFF3800  }
0x1d8: {  	[hbm4b:s0+s3] =	stream.linear.scatter [tilespmem:s1], [sflag:$0x4], $0xC800, $0x38;
	[tilespmem:$0x19200] =	vst v63  }
0x1d9: {  	_ =	swait.ge [sflag:s19], $0xC800  }
0x1da: {  	[sflag:s19] =	ssyncset.done $0x0  }
0x1db: {  	[sflag:s19] =	ssyncadd.s32 $0xFFFF3800  }
0x1dc: {  	_ =	swait.ge [sflag:s20], $0xC800  }
0x1dd: {  	s30 =	rddreg [dreg:$0xb]  }
0x1de: {  	s31 =	rddreg [dreg:$0xa];
	s1 =	sadd.s32 $0x1, s30  }
0x1df: {  	p0 =	sne.s32 s1, s31  }
.Ltmp5:
0x1e0: {  	_ = 	snop;
	(pc) =	sbr.rel @p0 .LBB2_1-.Ltmp5, $3  }
0x1e1: {  	_ =	sdelay $0x1  }
0x1e2: {  	[sflag:s20] =	ssyncset.done $0x0  }
0x1e3: {  	[sflag:s20] =	ssyncadd.s32 $0xFFFF3800  }
0x1e4: {  	_ =	sfence.sel $0x180000  }
0x1e5: {  	[bflag:$0x0] =	sbarrier.arrive $0xFFFF  }
0x1e6: {  	_ =	strace $0x90000047  }
0x1e7: {  	s0 =	stileid.u32;
	[bflag:$0x2] =	sbarrier.arrive $0xFFFF  }
0x1e8: {  	p0 =	sne.s32 s0, $0x0;
	s0 =	rddreg [dreg:$0x2]  }
0x1e9: {  	s0 =	sadd.s32 @!p0 $0x100000, s0  }
0x1ea: {  	[sflag:s0] =	ssyncadd.tile.s32 @!p0 $0x1;
	_ =	shalt  }
.Lfunc_end2:
_tile_overlayer_lowered:
.L_overlay_start_2:
0x1eb: {  	(tag) =	ssettag $0x2  }
0x1ec: {  	s0 =	rddreg [dreg:$0x0];
	s2 =	stileid.u32  }
0x1ed: {  	s1 =	rddreg [dreg:$0x1];
	p0 =	sne.s32 s2, $0x0  }
0x1ee: {  	s3 =	rddreg [dreg:$0x2];
	[bflag:$0x3] =	sbarrier.arrive $0xFFFF;
	s2 =	simm.s32 @!p0 $0x1C05  }
0x1ef: {  	[timem:s3], [sflag:s2] =	dma.local @!p0 [hbm:s0], s1  }
0x1f0: {  	s0 =	simm.s32 @!p0 $0x5  }
0x1f1: {  	_ =	swait.ge @!p0 [sflag:s0], s1  }
0x1f2: {  	s1 =	ssub.s32 @!p0 $0x0, s1;
	[sflag:s0] =	ssyncset.done @!p0 $0x0  }
0x1f3: {  	[sflag:s0] =	ssyncadd.s32 @!p0 s1  }
0x1f4: {  	[bflag:$0x3] =	sbarrier.arrive $0xFFFF  }
0x1f5: {  	_ =	shalt  }

// kernel: sparse-core-data-format-call.cloned.1.call-start
scs
called_computation_lowered:
.L_overlay_start_0:
0x0: {  	s2 =	sld [smem:$0x3FD9]  }
0x1: {  	s3 =	sld [smem:$0x3FFE];
	_ =	sdelay $0x1  }
0x2: {  	s1 =	srdreg.scid  }
0x3: {  	s0 =	sand.u32 $0x1, s1  }
0x4: {  	s18 =	sshll.u32 s0, $0xA;
	s2 =	sadd.s32 s3, s2  }
0x5: {  	s2 =	sadd.s32 s2, s18  }
0x6: {  	[smem:$0x3FC6] =	sst s2  }
0x7: {  	_ = 	snop  }
0x8: {  	s2 =	sld [smem:$0x3FD0];
	(tm) =	ssettm $0x1  }
0x9: {  	s19 =	sld [smem:$0x3FFB];
	_ =	sdelay $0x3  }
0xa: {  	_ =	strace s19  }
0xb: {  	s3 =	sld [smem:$0x3FFC];
	_ =	sdelay $0x3  }
0xc: {  	_ =	strace s3  }
0xd: {  	s3 =	sld [smem:$0x3FFD];
	_ =	sdelay $0x3  }
0xe: {  	_ =	strace s3  }
0xf: {  	_ =	strace $0x8FFFFFFF  }
0x10: {  	s20 =	sld [smem:$0x3FDB];
	_ =	sdelay $0x1  }
0x11: {  	s4 =	simm.s32 $_scs_section_size  }
0x12: {  	s5 =	simm.s32 $_size__tile_overlayer_lowered;
	s6 =	simm.s32 $_tile_overlayer_lowered  }
0x13: {  	s23 =	simm.s32 $0x1BFF;
	s22 =	sshll.u32 s6, $0x1;
	s3 =	sadd.s32 s4, s20  }
0x14: {  	s7 =	simm.s32 $0x0;
	s21 =	sshll.u32 s5, $0x1;
	s5 =	sadd.s32 s22, s3  }
0x15: {  	[timem:s7], [sflag:s23] =	dma.local [hbm:s5], s21  }
0x16: {  	_ =	swait.ge [sflag:s23], s21  }
0x17: {  	s4 =	ssub.s32 $0x0, s21;
	[sflag:s23] =	ssyncset.done $0x0  }
0x18: {  	[sflag:s23] =	ssyncadd.s32 s4;
	_ =	sdelay $0x1  }
0x19: {  	s24 =	simm.s32 $0x1B8B  }
0x1a: {  	_ =	swait.ge [sflag:s24], $0x1  }
0x1b: {  	[sflag:s24] =	ssyncset.done $0x0  }
0x1c: {  	s26 =	simm.s32 $0x1B8E;
	s25 =	sld [smem:$0x3FFE];
	[sflag:s24] =	ssyncadd.s32 $0xFFFFFFFF  }
0x1d: {  	s27 =	simm.s32 $execute0_lowered;
	[smem:$0x3FD2] =	sst s26  }
0x1e: {  	s5 =	sshll.u32 s27, $0x1;
	_ =	strace $0x80000049;
	[dreg:$0x1] =	wrdreg $0xFFFFFFFF  }
0x1f: {  	s28 =	simm.s32 $_size_execute0_lowered;
	s3 =	sadd.s32 s3, s5;
	[dreg:$0x0] =	wrdreg $0x0  }
0x20: {  	s5 =	sshll.u32 s28, $0x1;
	[dreg:$0x2] =	wrdreg s3  }
0x21: {  	[dreg:$0x3] =	wrdreg s5  }
0x22: {  	[dreg:$0x4] =	wrdreg $0xC0  }
0x23: {  	_ =	task [dreg:s7], $0x5FFFF  }
0x24: {  	[dreg:$0x1] =	wrdreg $0xFFFFFFFF  }
0x25: {  	[dreg:$0x0] =	wrdreg $0x60  }
0x26: {  	[dreg:$0x2] =	wrdreg s25  }
0x27: {  	[dreg:$0x3] =	wrdreg s2  }
0x28: {  	[dreg:$0x4] =	wrdreg $0x9  }
0x29: {  	_ =	task.clear_ibuf [dreg:s7], $0x5FFFF;
	_ =	strace $0x90000049  }
0x2a: {  	s29 =	simm.s32 $0x9;
	_ =	strace $0x8000004B  }
0x2b: {  	_ =	swait.ge [sflag:s29], $0x1  }
0x2c: {  	[sflag:s29] =	ssyncadd.s32 $0xFFFFFFFF  }
0x2d: {  	_ =	strace $0x9000004B  }
0x2e: {  	_ =	sfence  }
0x2f: {  	s30 =	sld [smem:$0x0];
	_ =	sdelay $0x2  }
0x30: {  	s31 =	sshll.u32 s1, $0xD;
	s1 =	sshrl.u32 s1, $0x2  }
0x31: {  	s3 =	sand.u32 $0x4000, s31;
	s1 =	sadd.s32 s1, s30  }
0x32: {  	s0 =	sor.u32 s3, s0;
	s1 =	sshll.u32 s1, $0x11  }
0x33: {  	s0 =	sor.u32 s1, s0  }
0x34: {  	s0 =	sadd.s32 $0x8F2B, s0  }
0x35: {  	[sflag:s0] =	ssyncadd.remote.s32 $0x1  }
0x36: {  	_ =	sfence.sel $0xFFFF  }
0x37: {  	[dreg:$0x0] =	wrdreg $0xFFFFFFFF;
	(pc) =	sbr.abs _section_cstart, $3  }
0x38: {  	[dreg:$0x1] =	wrdreg $0xFFFFFFFF  }
0x39: {  	_ =	task.clear_ibuf [dreg:s7], $0x2FFFF;
	_ =	strace $0x9FFFFFFF  }
0x3a: {  	(tm) =	ssettm $0x7FFFFFFF  }
0x3b: {  	_ =	shalt  }
tec
execute0_lowered:
.L_overlay_start_1:
0x0: {  	(tag) =	ssettag $0x1  }
0x1: {  	s0 =	srdreg.scid  }
0x2: {  	s1 =	sshll.u32 s0, $0x4  }
0x3: {  	s0 =	stileid.u32;
	s1 =	sand.u32 $0x10, s1  }
0x4: {  	s1 =	sor.u32 s0, s1  }
0x5: {  	s6 =	rddreg [dreg:$0x0];
	s4 =	simm.s32 $0x1;
	s2 =	sshll.u32 s1, $0x7  }
0x6: {  	s7 =	simm.s32 $0x2;
	s12 =	simm.s32 $0x0;
	s1 =	ssub.s32 $0x1000, s2  }
0x7: {  	s8 =	simm.s32 $0x8000;
	s13 =	simm.s32 $0x0;
	s3 =	sand.u32 $0xF80, s1  }
0x8: {  	s9 =	simm.s32 $0x0;
	s5 =	sshrl.u32 s1, $0xC;
	p0 =	sne.s32 s3, $0x0  }
.Ltmp0:
0x9: {  	s1 =	rddreg [dreg:$0x2];
	s4 =	simm.s32 @!p0 $0x0;
	(pc) =	sbr.rel .LBB1_1-.Ltmp0, $4  }
0xa: {  	s11 =	simm.s32 $0x0;
	s3 =	rddreg [dreg:$0x1];
	s5 =	sadd.s32 s4, s5  }
0xb: {  	_ =	strace $0x8000004A;
	s4 =	simm.s32 $0x1;
	s5 =	smul.u32 $0xC8, s5  }
0xc: {  	s6 =	sadd.s32 $0xF42C00, s6;
	s10 =	smov.u32 s2;
	[sflag:s4] =	ssyncpa.u1 $0x0  }
0xd: {  	p0 =	por $0x0, $0x0;
	[sflag:s7] =	ssyncpa.u1 $0x0;
	s7 =	sor.u32 $0x1, s5  }
.LBB1_4:
0xe: {  	s16 =	sshll.u32 s13, $0x3;
	s17 =	sand.u32 $0x78, s13  }
0xf: {  	s30 =	sand.u32 $0x7E00, s13;
	s12 =	sshll.u32 s12, $0xF;
	s16 =	sand.u32 $0xC00, s16  }
0x10: {  	[tilespmem:s15+$0x810 ss:$0x81] =	vst.msk $0xffff, v2;
	s31 =	sand.u32 $0x7, s13;
	s16 =	sor.u32 s17, s16;
	s17 =	sadd.s32 s3, s30  }
0x11: {  	[tilespmem:s15+$0x1020 ss:$0x81] =	vst.msk $0xffff, v0;
	s13 =	sshll.u32 s31, $0x12;
	s12 =	sadd.s32 s12, s17;
	s16 =	sshrl.u32 s16, $0x3  }
0x12: {  	[tilespmem:s15+$0x0 ss:$0x81] =	vst.msk $0xffff, v1;
	s13 =	sor.u32 $0x400, s13;
	s12 =	sadd.s32 s16, s12  }
0x13: {  	[hbm4b:s12+s13] =	stream.strided.scatter [tilespmem:s14], [sflag:$0x2], $0x2000, s8, s13, $0x20;
	[tilespmem:$0x8080] =	vst v63  }
.LBB1_5:
0x14: {  	s14 =	sadd.s32 $0x1, s9  }
0x15: {  	s12 =	sadd.s32 $0x1000, s10;
	s16 =	smov.u32 s10;
	p2 =	sgt.s32 s14, $0xC7  }
0x16: {  	s16 =	smov.u32 @p2 s12  }
0x17: {  	s14 =	simm.s32 @p2 $0x0;
	p2 =	sgt.s32 s16, $0xFFF  }
0x18: {  	s16 =	smov.u32 @p2 s2;
	p2 =	sne.s32 s11, s7  }
.Ltmp1:
0x19: {  	p1 =	slt.u32 s11, $0x2;
	(pc) =	sbr.rel @!p2 .LBB1_6-.Ltmp1, $4  }
0x1a: {  	s15 =	simm.s32 @!p1 $0x2  }
0x1b: {  	s13 =	smov.u32 s10;
	p0 =	por !p0, !p0;
	_ =	swait.ge @!p1 [sflag:s15], $0x2000  }
0x1c: {  	s12 =	smov.u32 s9;
	[sflag:s15] =	ssyncset.done @!p1 $0x0;
	s9 =	smov.u32 s14  }
0x1d: {  	s11 =	sadd.s32 $0x1, s11;
	[sflag:s15] =	ssyncadd.s32 @!p1 $0xFFFFE000;
	s10 =	smov.u32 s16  }
.LBB1_1:
0x1e: {  	p1 =	sge.u32 s11, s5  }
0x1f: {  	s14 =	sand.u32 @!p1 $0x1FFFFFF, s9  }
0x20: {  	s15 =	smulhi.u32 @!p1 $0x147AE15, s14;
	_ =	sdelay $0x1  }
0x21: {  	s15 =	smul.u32 @!p1 $0xC8, s15  }
0x22: {  	s16 =	sxor.u32 @!p1 $0xFFFFFFFF, s11;
	s17 =	smul.u32 @!p1 $0xC80, s10  }
0x23: {  	s31 =	sadd.s32 $0xFFFFFFFF, s11;
	s16 =	sshll.u32 @!p1 s16, $0xD;
	s14 =	ssub.s32 @!p1 s14, s15  }
0x24: {  	s15 =	sand.u32 @!p1 $0x2000, s16;
	s16 =	sadd.s32 @!p1 s6, s17;
	s14 =	sshll.u32 @!p1 s14, $0x4  }
0x25: {  	s17 =	simm.s32 @!p1 $0x6400;
	s14 =	sadd.s32 @!p1 s14, s16;
	s16 =	simm.s32 @!p1 $0x40  }
0x26: {  	[tilespmem:s15], [sflag:$0x1] =	stream.strided.gather @!p1 [hbm4b:s14+s16], $0x2000, s17, s16, $0x38;
	[tilespmem:$0x8080] =	vst v63  }
0x27: {  	p1 =	sge.u32 s31, s5  }
.Ltmp2:
0x28: {  	_ = 	snop;
	(pc) =	sbr.rel @p1 .LBB1_5-.Ltmp2, $1  }
0x29: {  	_ =	sdelay $0x3  }
0x2a: {  	s14 =	simm.s32 $0x1  }
0x2b: {  	_ =	swait.ge [sflag:s4], $0x2000;
	s14 =	simm.s32 @!p0 $0x0  }
0x2c: {  	[sflag:s4] =	ssyncset.done $0x0;
	s15 =	sshll.u32 s14, $0xD  }
0x2d: {  	[sflag:s4] =	ssyncadd.s32 $0xFFFFE000;
	s18 =	sor.u32 $0x20, s15  }
0x2e: {  	s14 =	smul.u32 $0x8100, s14;
	v3 =	vld [tilespmem:s18+$0x10]  }
0x2f: {  	s30 =	sand.u32 $0x1, s11;
	v2 =	vld [tilespmem:s18+$0xFFFFFFF0]  }
0x30: {  	s15 =	smul.u32 $0x8100, s30;
	s14 =	sshrl.u32 s14, $0x2;
	v0 =	vld [tilespmem:s18+$0x0]  }
0x31: {  	v1 =	vld [tilespmem:s18+$0xFFFFFFE0];
	s16 =	sor.u32 $0x4000, s14  }
0x32: {  	s31 =	sshrl.u32 s15, $0x2;
	s15 =	sadd.s32 $0x0, s16  }
0x33: {  	s17 =	simm.s32 $0x4;
	s18 =	sadd.s32 $0x40, s18;
	s14 =	sor.u32 $0x4000, s31;
	[tilespmem:s15+$0x1830 ss:$0x81] =	vst.msk $0xffff, v3  }
.LBB1_3:
0x34: {  	v3 =	vld [tilespmem:s18+$0x10];
	p1 =	sne.s32 s17, $0x1FC;
	[tilespmem:s15+$0x810 ss:$0x81] =	vst.msk $0xffff, v2;
	s19 =	smov.u32 s17;
	s17 =	sadd.s32 $0x4, s17  }
.Ltmp3:
0x35: {  	v2 =	vld [tilespmem:s18+$0xFFFFFFF0];
	[tilespmem:s15+$0x1020 ss:$0x81] =	vst.msk $0xffff, v0;
	(pc) =	sbr.rel @p1 .LBB1_3-.Ltmp3, $4  }
0x36: {  	v0 =	vld [tilespmem:s18+$0x0];
	[tilespmem:s15+$0x0 ss:$0x81] =	vst.msk $0xffff, v1  }
0x37: {  	s15 =	sshra.s32 s19, $0x2;
	v1 =	vld [tilespmem:s18+$0xFFFFFFE0]  }
0x38: {  	s15 =	sadd.s32 s15, s16  }
0x39: {  	s18 =	sadd.s32 $0x40, s18;
	[tilespmem:s15+$0x1830 ss:$0x81] =	vst.msk $0xffff, v3  }
.Ltmp4:
0x3a: {  	_ = 	snop;
	(pc) =	sbr.rel .LBB1_4-.Ltmp4, $1  }
0x3b: {  	_ =	sdelay $0x3  }
.LBB1_6:
0x3c: {  	_ =	sfence.sel $0x180000  }
0x3d: {  	s2 =	simm.s32 $0x1;
	[bflag:$0x0] =	sbarrier.arrive $0xFFFF  }
0x3e: {  	s31 =	simm.s32 $0x2;
	[sflag:s2] =	ssyncpa.u1 $0x1  }
0x3f: {  	[sflag:s31] =	ssyncpa.u1 $0x1  }
0x40: {  	p0 =	sne.s32 s0, $0x0;
	_ =	strace $0x9000004A  }
0x41: {  	s0 =	sadd.s32 @!p0 $0x100000, s1;
	[bflag:$0x2] =	sbarrier.arrive $0xFFFF  }
0x42: {  	[sflag:s0] =	ssyncadd.tile.s32 @!p0 $0x1;
	_ =	shalt  }
.Lfunc_end1:
_tile_overlayer_lowered:
.L_overlay_start_2:
0x43: {  	(tag) =	ssettag $0x2  }
0x44: {  	s0 =	rddreg [dreg:$0x0];
	s2 =	stileid.u32  }
0x45: {  	s1 =	rddreg [dreg:$0x1];
	p0 =	sne.s32 s2, $0x0  }
0x46: {  	s3 =	rddreg [dreg:$0x2];
	[bflag:$0x3] =	sbarrier.arrive $0xFFFF;
	s2 =	simm.s32 @!p0 $0x1C01  }
0x47: {  	[timem:s3], [sflag:s2] =	dma.local @!p0 [hbm:s0], s1  }
0x48: {  	s0 =	simm.s32 @!p0 $0x1  }
0x49: {  	_ =	swait.ge @!p0 [sflag:s0], s1  }
0x4a: {  	s1 =	ssub.s32 @!p0 $0x0, s1;
	[sflag:s0] =	ssyncset.done @!p0 $0x0  }
0x4b: {  	[sflag:s0] =	ssyncadd.s32 @!p0 s1  }
0x4c: {  	[bflag:$0x3] =	sbarrier.arrive $0xFFFF  }
0x4d: {  	_ =	shalt  }

</sc_bundles>
